<compile_context>
chip_gen: v7x
topology: tpu7x:2x2x1
jax: 0.10.2.dev20260603
libtpu: 0.0.44.dev20260713+nightly
codegen_flags: <defaults>
</compile_context>

<pallas_src>
import functools

import jax
import jax.numpy as jnp
from jax import lax
from jax.experimental import pallas as pl
from jax.experimental.pallas import tpu as pltpu
from jax.experimental.pallas import tpu_sc as plsc

NC = 2
NS = 16
NW = NC * NS
LANES = 16
CH = 80
NBUF = 3
BN = 1024


def _sc_mesh():
    return plsc.VectorSubcoreMesh(
        core_axis_name="c", subcore_axis_name="s",
        num_cores=NC, num_subcores=NS)


def _make_deg_kernel(n_pad, nchunk):
    rpt = n_pad // NS

    @functools.partial(
        pl.kernel,
        out_type=jax.ShapeDtypeStruct((NC, n_pad), jnp.float32),
        mesh=_sc_mesh(),
        scratch_types=[
            pltpu.VMEM((nchunk, CH), jnp.int32),
            pltpu.VMEM((CH,), jnp.float32),
            pltpu.VMEM((rpt,), jnp.float32),
            pltpu.VMEM_SHARED((n_pad,), jnp.float32),
            pltpu.SemaphoreType.DMA,
            pltpu.SemaphoreType.DMA,
        ],
    )
    def deg_kernel(dst_hbm, ones_hbm, degp_hbm, dstv, ones_v, zv, deg_sh,
                   dsem_a, dsem_b):
        c = lax.axis_index("c")
        s = lax.axis_index("s")
        wid = s * NC + c
        pltpu.sync_copy(dst_hbm.at[wid], dstv)
        pltpu.sync_copy(ones_hbm, ones_v)
        for i in range(rpt // LANES):
            zv[pl.ds(i * LANES, LANES)] = jnp.zeros((LANES,), jnp.float32)
        row0 = pl.multiple_of(s * rpt, 8)
        pltpu.sync_copy(zv, deg_sh.at[pl.ds(row0, rpt)])
        plsc.subcore_barrier()

        def d_desc(ci, sem):
            return pltpu.make_async_copy(ones_v, deg_sh.at[dstv.at[ci]], sem)

        def body(k, carry):
            c0 = k * 2
            d_desc(c0, dsem_a).start(add=True)
            d_desc(c0 + 1, dsem_b).start(add=True)
            d_desc(c0, dsem_a).wait()
            d_desc(c0 + 1, dsem_b).wait()
            return carry

        lax.fori_loop(0, nchunk // 2, body, 0)
        for ci in range(nchunk - nchunk % 2, nchunk):
            pltpu.sync_copy(ones_v, deg_sh.at[dstv.at[ci]], add=True)
        plsc.subcore_barrier()
        pltpu.sync_copy(deg_sh.at[pl.ds(row0, rpt)],
                        degp_hbm.at[c, pl.ds(row0, rpt)])

    return deg_kernel


CPB = 3


def _make_agg_kernel(n_pad, nout, epw, nchunk):
    rpt = n_pad // NS
    nblk = nchunk // CPB
    be = CPB * CH
    assert nblk >= 4 and nblk % 2 == 0 and CPB % NBUF == 0
    depth = NBUF - 1

    @functools.partial(
        pl.kernel,
        out_type=jax.ShapeDtypeStruct((NC, n_pad, nout), jnp.float32),
        mesh=_sc_mesh(),
        scratch_types=(
            [pltpu.VMEM((be,), jnp.int32)] * 2 +
            [pltpu.VMEM((CPB, CH), jnp.int32)] * 2 +
            [pltpu.VMEM((CH, nout), jnp.float32)] * NBUF +
            [pltpu.VMEM_SHARED((n_pad, nout), jnp.float32)] +
            [pltpu.SemaphoreType.DMA] * (2 * NBUF + 2)
        ),
    )
    def agg_kernel(g_hbm, src_hbm, dst_hbm, zrows_hbm, qp_hbm, *scr):
        srcv = list(scr[0:2])
        dstv = list(scr[2:4])
        rows = list(scr[4:4 + NBUF])
        acc = scr[4 + NBUF]
        gsem = list(scr[5 + NBUF:5 + 2 * NBUF])
        ssem = list(scr[5 + 2 * NBUF:5 + 3 * NBUF])
        isem = list(scr[5 + 3 * NBUF:7 + 3 * NBUF])
        c = lax.axis_index("c")
        s = lax.axis_index("s")
        wid = s * NC + c
        row0 = pl.multiple_of(s * rpt, 8)

        pltpu.sync_copy(zrows_hbm, acc.at[pl.ds(row0, rpt)])
        plsc.subcore_barrier()

        def g_desc(i, p, x):
            return pltpu.make_async_copy(
                g_hbm.at[srcv[p].at[pl.ds(i * CH, CH)]], rows[x], gsem[x])

        def s_desc(i, p, x):
            return pltpu.make_async_copy(
                rows[x], acc.at[dstv[p].at[i]], ssem[x])

        def stage_descs(sb, p):
            sbase = pl.multiple_of(wid * epw + sb * be, 8)
            return (pltpu.make_async_copy(
                        src_hbm.at[pl.ds(sbase, be)], srcv[p], isem[p]),
                    pltpu.make_async_copy(
                        dst_hbm.at[wid, sb], dstv[p], isem[p]))

        def block_body(sb, p, first=False, last=False):
            if not last:
                for d in stage_descs(sb + 1, 1 - p):
                    d.start()
            for i in range(CPB):
                x = i % NBUF
                g_desc(i, p, x).wait()
                s_desc(i, p, x).start(add=True)
                if not (first and i == 0):
                    s_desc(0, p, (i + NBUF - 1) % NBUF).wait()
                if i <= CPB - 1 - depth:
                    g_desc(i + depth, p, (i + depth) % NBUF).start()
                elif not last:
                    if i == CPB - depth:
                        for d in stage_descs(sb + 1, 1 - p):
                            d.wait()
                    g_desc(i + depth - CPB, 1 - p, (i + depth) % NBUF).start()

        for d in stage_descs(0, 0):
            d.start()
        for d in stage_descs(0, 0):
            d.wait()
        for k in range(depth):
            g_desc(k, 0, k % NBUF).start()

        block_body(0, 0, first=True)

        def pair_body(m, carry):
            block_body(2 * m + 1, 1)
            block_body(2 * m + 2, 0)
            return carry

        lax.fori_loop(0, (nblk - 2) // 2, pair_body, 0)
        block_body(nblk - 1, (nblk - 1) % 2, last=True)
        s_desc(0, 0, (CPB - 1) % NBUF).wait()

        plsc.subcore_barrier()
        pltpu.sync_copy(acc.at[pl.ds(row0, rpt)],
                        qp_hbm.at[c, pl.ds(row0, rpt)])

    return agg_kernel


def _gscale_body(degp_ref, x_ref, w_ref, g_ref):
    deg = degp_ref[0, :] + degp_ref[1, :] + 1.0
    dinv = lax.rsqrt(deg)
    h = jnp.dot(x_ref[...], w_ref[...], preferred_element_type=jnp.float32)
    g_ref[...] = h * dinv[:, None]


def _combine_body(degp_ref, q_ref, g_ref, b_ref, o_ref):
    deg = degp_ref[0, :] + degp_ref[1, :] + 1.0
    dinv = lax.rsqrt(deg)
    ssum = q_ref[0] + q_ref[1] + g_ref[...]
    o_ref[...] = ssum * dinv[:, None] + b_ref[...]


def kernel(x, edge_index, W, b):
    n, nin = x.shape
    nout = W.shape[1]
    e = edge_index.shape[1]

    npm = max(BN, NS * 8)
    n_pad = -(-n // npm) * npm
    epw = -(-e // (NW * CPB * CH)) * (CPB * CH)
    ep = epw * NW
    nchunk = epw // CH
    nblk = nchunk // CPB

    src = edge_index[0].astype(jnp.int32)
    dst = edge_index[1].astype(jnp.int32)
    pad = ep - e
    if pad:
        extra = n + (jnp.arange(pad, dtype=jnp.int32) % (n_pad - n))
        src = jnp.concatenate([src, extra])
        dst = jnp.concatenate([dst, extra])
    dst_r = dst.reshape(NW, nchunk, CH)
    dst_r4 = dst.reshape(NW, nblk, CPB, CH)
    zrows = jnp.zeros((n_pad // NS, nout), jnp.float32)
    ones_ch = jnp.ones((CH,), jnp.float32)

    degp = _make_deg_kernel(n_pad, nchunk)(dst_r, ones_ch)

    g = pl.pallas_call(
        _gscale_body,
        grid=(n_pad // BN,),
        in_specs=[
            pl.BlockSpec((NC, BN), lambda i: (0, i)),
            pl.BlockSpec((BN, nin), lambda i: (i, 0)),
            pl.BlockSpec((nin, nout), lambda i: (0, 0)),
        ],
        out_specs=pl.BlockSpec((BN, nout), lambda i: (i, 0)),
        out_shape=jax.ShapeDtypeStruct((n_pad, nout), jnp.float32),
    )(degp, x, W)

    qp = _make_agg_kernel(n_pad, nout, epw, nchunk)(g, src, dst_r4, zrows)

    outp = pl.pallas_call(
        _combine_body,
        grid=(n_pad // BN,),
        in_specs=[
            pl.BlockSpec((NC, BN), lambda i: (0, i)),
            pl.BlockSpec((NC, BN, nout), lambda i: (0, i, 0)),
            pl.BlockSpec((BN, nout), lambda i: (i, 0)),
            pl.BlockSpec((1, nout), lambda i: (0, 0)),
        ],
        out_specs=pl.BlockSpec((BN, nout), lambda i: (i, 0)),
        out_shape=jax.ShapeDtypeStruct((n, nout), jnp.float32),
    )(degp, qp, g, b.reshape(1, nout))

    return outp

# --- scband reference (transcript-rebuilt; emitter-appended) ---
"""Pipeline reference for scband-gcnconv-29832842838835 (READ-ONLY COPY).

The authoritative reference and input builder live on the scoring server;
editing this copy changes nothing except your own understanding.
"""

import jax, jax.numpy as jnp
import numpy as np

N_NODES = 10000
N_EDGES = 320000
NIN = 128
NOUT = 128

def setup_inputs(seed: int = 0) -> dict:
    key = jax.random.key(seed)
    k1, k2, k3, k4 = jax.random.split(key, 4)
    x = jax.random.normal(k1, (N_NODES, NIN), dtype=jnp.float32)
    edge_index = jax.random.randint(k2, (2, N_EDGES), 0, N_NODES, dtype=jnp.int64)
    # Glorot init for the GCN linear weight [nin, nout], zeros for bias (PyG default)
    limit = float(np.sqrt(6.0 / (NIN + NOUT)))
    W = jax.random.uniform(k3, (NIN, NOUT), dtype=jnp.float32, minval=-limit, maxval=limit)
    b = jnp.zeros((NOUT,), dtype=jnp.float32)
    return {"x": x, "edge_index": edge_index, "W": W, "b": b}

def reference(x, edge_index, W, b):
    # Faithful GCNConv (Kipf & Welling) as in torch_geometric.nn.GCNConv:
    # add self-loops, symmetric normalization D^{-1/2} (A+I) D^{-1/2}, then X W + b
    N = x.shape[0]
    src = edge_index[0]
    dst = edge_index[1]
    loop = jnp.arange(N, dtype=edge_index.dtype)
    src = jnp.concatenate([src, loop])
    dst = jnp.concatenate([dst, loop])
    # degree computed on destination nodes with unit edge weights
    deg = jnp.zeros((N,), dtype=x.dtype).at[dst].add(1.0)
    deg_inv_sqrt = jnp.where(deg > 0, jax.lax.rsqrt(deg), 0.0)
    norm = deg_inv_sqrt[src] * deg_inv_sqrt[dst]
    # linear transform first (nin == nout here)
    h = x @ W
    # gather source features, scale by norm, scatter-add to destination
    msg = jnp.take(h, src, axis=0) * norm[:, None]
    out = jnp.zeros((N, h.shape[1]), dtype=h.dtype).at[dst].add(msg)
    out = out + b
    return out

if __name__ == "__main__":
    import jax
    _d = setup_inputs()
    print(jax.jit(kernel)(*tuple(_d.values())))

</pallas_src>

<mosaic_0001>
#map = affine_map<(d0, d1) -> (0, 0, 0)>
#map1 = affine_map<(d0, d1) -> (0)>
#map2 = affine_map<(d0, d1) -> (0, 0)>
module attributes {stable_mosaic.version = 14 : i64} {
  func.func @deg_kernel(%arg0: i32, %arg1: i32, %arg2: memref<32x126x80xi32, #tpu.memory_space<hbm>>, %arg3: memref<80xf32, #tpu.memory_space<hbm>>, %arg4: memref<2x10240xf32, #tpu.memory_space<hbm>>, %arg5: memref<126x80xi32, #tpu.memory_space<vmem>>, %arg6: memref<80xf32, #tpu.memory_space<vmem>>, %arg7: memref<640xf32, #tpu.memory_space<vmem>>, %arg8: memref<10240xf32, #tpu.memory_space<vmem_shared>>, %arg9: memref<!tpu.dma_semaphore, #tpu.memory_space<semaphore_mem>>, %arg10: memref<!tpu.dma_semaphore, #tpu.memory_space<semaphore_mem>>) attributes {dimension_semantics = [#tpu.dimension_semantics<core_parallel>, #tpu.dimension_semantics<subcore_parallel>], iteration_bounds = array<i64: 2, 16>, scalar_prefetch = 0 : i64, scratch_operands = 6 : i64, tpu.core_type = #tpu.core_type<sc_vector_subcore>, window_params = [{transform_indices = #map}, {transform_indices = #map1}, {transform_indices = #map2}]} {
    %mul3A = arith.constant 2 : i32
    %mul3A_0 = arith.muli %arg1, %mul3A : i32
    %add3A = arith.addi %mul3A_0, %arg0 : i32
    "tpu.region"() ({
      %run_scoped3A = tpu.sem_alloc : memref<!tpu.dma_semaphore, #tpu.memory_space<semaphore_mem>>
      %dma_start3A = arith.constant 0 : i32
      %dma_start3A_247 = arith.constant 0 : i32
      %dma_start3A_248 = tpu.memref_slice %arg2[%add3A, %dma_start3A, %dma_start3A_247] : memref<32x126x80xi32, #tpu.memory_space<hbm>> -> memref<1x126x80xi32, #tpu.memory_space<hbm>>
      %dma_start3A_249 = tpu.memref_squeeze %dma_start3A_248 : memref<1x126x80xi32, #tpu.memory_space<hbm>> -> memref<126x80xi32, #tpu.memory_space<hbm>>
      %dma_start3A_250 = arith.constant 0 : i32
      %dma_start3A_251 = arith.constant 0 : i32
      %dma_start3A_252 = tpu.memref_slice %arg2[%add3A, %dma_start3A_250, %dma_start3A_251] : memref<32x126x80xi32, #tpu.memory_space<hbm>> -> memref<1x126x80xi32, #tpu.memory_space<hbm>>
      %dma_start3A_253 = tpu.memref_squeeze %dma_start3A_252 : memref<1x126x80xi32, #tpu.memory_space<hbm>> -> memref<126x80xi32, #tpu.memory_space<hbm>>
      tpu.enqueue_dma source(%dma_start3A_253 : memref<126x80xi32, #tpu.memory_space<hbm>>) target(%arg5 : memref<126x80xi32, #tpu.memory_space<vmem>>) target_semaphore(%run_scoped3A : memref<!tpu.dma_semaphore, #tpu.memory_space<semaphore_mem>>)
      %dma_wait3A = arith.constant 0 : i32
      %dma_wait3A_254 = arith.constant 0 : i32
      %dma_wait3A_255 = tpu.memref_slice %arg2[%add3A, %dma_wait3A, %dma_wait3A_254] : memref<32x126x80xi32, #tpu.memory_space<hbm>> -> memref<1x126x80xi32, #tpu.memory_space<hbm>>
      %dma_wait3A_256 = tpu.memref_squeeze %dma_wait3A_255 : memref<1x126x80xi32, #tpu.memory_space<hbm>> -> memref<126x80xi32, #tpu.memory_space<hbm>>
      %dma_wait3A_257 = arith.constant 0 : i32
      %dma_wait3A_258 = arith.constant 0 : i32
      %dma_wait3A_259 = tpu.memref_slice %arg2[%add3A, %dma_wait3A_257, %dma_wait3A_258] : memref<32x126x80xi32, #tpu.memory_space<hbm>> -> memref<1x126x80xi32, #tpu.memory_space<hbm>>
      %dma_wait3A_260 = tpu.memref_squeeze %dma_wait3A_259 : memref<1x126x80xi32, #tpu.memory_space<hbm>> -> memref<126x80xi32, #tpu.memory_space<hbm>>
      tpu.wait_dma2 semaphore(%run_scoped3A : memref<!tpu.dma_semaphore, #tpu.memory_space<semaphore_mem>>) src(%dma_wait3A_260 : memref<126x80xi32, #tpu.memory_space<hbm>>) dst(%arg5 : memref<126x80xi32, #tpu.memory_space<vmem>>)
      tpu.yield
    }) : () -> ()
    "tpu.region"() ({
      %run_scoped3A = tpu.sem_alloc : memref<!tpu.dma_semaphore, #tpu.memory_space<semaphore_mem>>
      tpu.enqueue_dma source(%arg3 : memref<80xf32, #tpu.memory_space<hbm>>) target(%arg6 : memref<80xf32, #tpu.memory_space<vmem>>) target_semaphore(%run_scoped3A : memref<!tpu.dma_semaphore, #tpu.memory_space<semaphore_mem>>)
      tpu.wait_dma2 semaphore(%run_scoped3A : memref<!tpu.dma_semaphore, #tpu.memory_space<semaphore_mem>>) src(%arg3 : memref<80xf32, #tpu.memory_space<hbm>>) dst(%arg6 : memref<80xf32, #tpu.memory_space<vmem>>)
      tpu.yield
    }) : () -> ()
    %broadcast_in_dim3A = arith.constant 0.000000e+00 : f32
    %broadcast_in_dim3A_1 = vector.broadcast %broadcast_in_dim3A : f32 to vector<16xf32>
    %swap3A = arith.constant 0 : index
    %swap3A_2 = tpu.vector_load %arg7[%swap3A] {strides = array<i32>} : memref<640xf32, #tpu.memory_space<vmem>>, vector<16xf32>,
    %swap3A_3 = vector.shape_cast %swap3A_2 : vector<16xf32> to vector<16xf32>
    %swap3A_4 = vector.shape_cast %broadcast_in_dim3A_1 : vector<16xf32> to vector<16xf32>
    tpu.vector_store %arg7[%swap3A], %swap3A_4 {strides = array<i32>} : memref<640xf32, #tpu.memory_space<vmem>>, vector<16xf32>,
    %broadcast_in_dim3A_5 = arith.constant 0.000000e+00 : f32
    %broadcast_in_dim3A_6 = vector.broadcast %broadcast_in_dim3A_5 : f32 to vector<16xf32>
    %swap3A_7 = arith.constant 16 : index
    %swap3A_8 = tpu.vector_load %arg7[%swap3A_7] {strides = array<i32>} : memref<640xf32, #tpu.memory_space<vmem>>, vector<16xf32>,
    %swap3A_9 = vector.shape_cast %swap3A_8 : vector<16xf32> to vector<16xf32>
    %swap3A_10 = vector.shape_cast %broadcast_in_dim3A_6 : vector<16xf32> to vector<16xf32>
    tpu.vector_store %arg7[%swap3A_7], %swap3A_10 {strides = array<i32>} : memref<640xf32, #tpu.memory_space<vmem>>, vector<16xf32>,
    %broadcast_in_dim3A_11 = arith.constant 0.000000e+00 : f32
    %broadcast_in_dim3A_12 = vector.broadcast %broadcast_in_dim3A_11 : f32 to vector<16xf32>
    %swap3A_13 = arith.constant 32 : index
    %swap3A_14 = tpu.vector_load %arg7[%swap3A_13] {strides = array<i32>} : memref<640xf32, #tpu.memory_space<vmem>>, vector<16xf32>,
    %swap3A_15 = vector.shape_cast %swap3A_14 : vector<16xf32> to vector<16xf32>
    %swap3A_16 = vector.shape_cast %broadcast_in_dim3A_12 : vector<16xf32> to vector<16xf32>
    tpu.vector_store %arg7[%swap3A_13], %swap3A_16 {strides = array<i32>} : memref<640xf32, #tpu.memory_space<vmem>>, vector<16xf32>,
    %broadcast_in_dim3A_17 = arith.constant 0.000000e+00 : f32
    %broadcast_in_dim3A_18 = vector.broadcast %broadcast_in_dim3A_17 : f32 to vector<16xf32>
    %swap3A_19 = arith.constant 48 : index
    %swap3A_20 = tpu.vector_load %arg7[%swap3A_19] {strides = array<i32>} : memref<640xf32, #tpu.memory_space<vmem>>, vector<16xf32>,
    %swap3A_21 = vector.shape_cast %swap3A_20 : vector<16xf32> to vector<16xf32>
    %swap3A_22 = vector.shape_cast %broadcast_in_dim3A_18 : vector<16xf32> to vector<16xf32>
    tpu.vector_store %arg7[%swap3A_19], %swap3A_22 {strides = array<i32>} : memref<640xf32, #tpu.memory_space<vmem>>, vector<16xf32>,
    %broadcast_in_dim3A_23 = arith.constant 0.000000e+00 : f32
    %broadcast_in_dim3A_24 = vector.broadcast %broadcast_in_dim3A_23 : f32 to vector<16xf32>
    %swap3A_25 = arith.constant 64 : index
    %swap3A_26 = tpu.vector_load %arg7[%swap3A_25] {strides = array<i32>} : memref<640xf32, #tpu.memory_space<vmem>>, vector<16xf32>,
    %swap3A_27 = vector.shape_cast %swap3A_26 : vector<16xf32> to vector<16xf32>
    %swap3A_28 = vector.shape_cast %broadcast_in_dim3A_24 : vector<16xf32> to vector<16xf32>
    tpu.vector_store %arg7[%swap3A_25], %swap3A_28 {strides = array<i32>} : memref<640xf32, #tpu.memory_space<vmem>>, vector<16xf32>,
    %broadcast_in_dim3A_29 = arith.constant 0.000000e+00 : f32
    %broadcast_in_dim3A_30 = vector.broadcast %broadcast_in_dim3A_29 : f32 to vector<16xf32>
    %swap3A_31 = arith.constant 80 : index
    %swap3A_32 = tpu.vector_load %arg7[%swap3A_31] {strides = array<i32>} : memref<640xf32, #tpu.memory_space<vmem>>, vector<16xf32>,
    %swap3A_33 = vector.shape_cast %swap3A_32 : vector<16xf32> to vector<16xf32>
    %swap3A_34 = vector.shape_cast %broadcast_in_dim3A_30 : vector<16xf32> to vector<16xf32>
    tpu.vector_store %arg7[%swap3A_31], %swap3A_34 {strides = array<i32>} : memref<640xf32, #tpu.memory_space<vmem>>, vector<16xf32>,
    %broadcast_in_dim3A_35 = arith.constant 0.000000e+00 : f32
    %broadcast_in_dim3A_36 = vector.broadcast %broadcast_in_dim3A_35 : f32 to vector<16xf32>
    %swap3A_37 = arith.constant 96 : index
    %swap3A_38 = tpu.vector_load %arg7[%swap3A_37] {strides = array<i32>} : memref<640xf32, #tpu.memory_space<vmem>>, vector<16xf32>,
    %swap3A_39 = vector.shape_cast %swap3A_38 : vector<16xf32> to vector<16xf32>
    %swap3A_40 = vector.shape_cast %broadcast_in_dim3A_36 : vector<16xf32> to vector<16xf32>
    tpu.vector_store %arg7[%swap3A_37], %swap3A_40 {strides = array<i32>} : memref<640xf32, #tpu.memory_space<vmem>>, vector<16xf32>,
    %broadcast_in_dim3A_41 = arith.constant 0.000000e+00 : f32
    %broadcast_in_dim3A_42 = vector.broadcast %broadcast_in_dim3A_41 : f32 to vector<16xf32>
    %swap3A_43 = arith.constant 112 : index
    %swap3A_44 = tpu.vector_load %arg7[%swap3A_43] {strides = array<i32>} : memref<640xf32, #tpu.memory_space<vmem>>, vector<16xf32>,
    %swap3A_45 = vector.shape_cast %swap3A_44 : vector<16xf32> to vector<16xf32>
    %swap3A_46 = vector.shape_cast %broadcast_in_dim3A_42 : vector<16xf32> to vector<16xf32>
    tpu.vector_store %arg7[%swap3A_43], %swap3A_46 {strides = array<i32>} : memref<640xf32, #tpu.memory_space<vmem>>, vector<16xf32>,
    %broadcast_in_dim3A_47 = arith.constant 0.000000e+00 : f32
    %broadcast_in_dim3A_48 = vector.broadcast %broadcast_in_dim3A_47 : f32 to vector<16xf32>
    %swap3A_49 = arith.constant 128 : index
    %swap3A_50 = tpu.vector_load %arg7[%swap3A_49] {strides = array<i32>} : memref<640xf32, #tpu.memory_space<vmem>>, vector<16xf32>,
    %swap3A_51 = vector.shape_cast %swap3A_50 : vector<16xf32> to vector<16xf32>
    %swap3A_52 = vector.shape_cast %broadcast_in_dim3A_48 : vector<16xf32> to vector<16xf32>
    tpu.vector_store %arg7[%swap3A_49], %swap3A_52 {strides = array<i32>} : memref<640xf32, #tpu.memory_space<vmem>>, vector<16xf32>,
    %broadcast_in_dim3A_53 = arith.constant 0.000000e+00 : f32
    %broadcast_in_dim3A_54 = vector.broadcast %broadcast_in_dim3A_53 : f32 to vector<16xf32>
    %swap3A_55 = arith.constant 144 : index
    %swap3A_56 = tpu.vector_load %arg7[%swap3A_55] {strides = array<i32>} : memref<640xf32, #tpu.memory_space<vmem>>, vector<16xf32>,
    %swap3A_57 = vector.shape_cast %swap3A_56 : vector<16xf32> to vector<16xf32>
    %swap3A_58 = vector.shape_cast %broadcast_in_dim3A_54 : vector<16xf32> to vector<16xf32>
    tpu.vector_store %arg7[%swap3A_55], %swap3A_58 {strides = array<i32>} : memref<640xf32, #tpu.memory_space<vmem>>, vector<16xf32>,
    %broadcast_in_dim3A_59 = arith.constant 0.000000e+00 : f32
    %broadcast_in_dim3A_60 = vector.broadcast %broadcast_in_dim3A_59 : f32 to vector<16xf32>
    %swap3A_61 = arith.constant 160 : index
    %swap3A_62 = tpu.vector_load %arg7[%swap3A_61] {strides = array<i32>} : memref<640xf32, #tpu.memory_space<vmem>>, vector<16xf32>,
    %swap3A_63 = vector.shape_cast %swap3A_62 : vector<16xf32> to vector<16xf32>
    %swap3A_64 = vector.shape_cast %broadcast_in_dim3A_60 : vector<16xf32> to vector<16xf32>
    tpu.vector_store %arg7[%swap3A_61], %swap3A_64 {strides = array<i32>} : memref<640xf32, #tpu.memory_space<vmem>>, vector<16xf32>,
    %broadcast_in_dim3A_65 = arith.constant 0.000000e+00 : f32
    %broadcast_in_dim3A_66 = vector.broadcast %broadcast_in_dim3A_65 : f32 to vector<16xf32>
    %swap3A_67 = arith.constant 176 : index
    %swap3A_68 = tpu.vector_load %arg7[%swap3A_67] {strides = array<i32>} : memref<640xf32, #tpu.memory_space<vmem>>, vector<16xf32>,
    %swap3A_69 = vector.shape_cast %swap3A_68 : vector<16xf32> to vector<16xf32>
    %swap3A_70 = vector.shape_cast %broadcast_in_dim3A_66 : vector<16xf32> to vector<16xf32>
    tpu.vector_store %arg7[%swap3A_67], %swap3A_70 {strides = array<i32>} : memref<640xf32, #tpu.memory_space<vmem>>, vector<16xf32>,
    %broadcast_in_dim3A_71 = arith.constant 0.000000e+00 : f32
    %broadcast_in_dim3A_72 = vector.broadcast %broadcast_in_dim3A_71 : f32 to vector<16xf32>
    %swap3A_73 = arith.constant 192 : index
    %swap3A_74 = tpu.vector_load %arg7[%swap3A_73] {strides = array<i32>} : memref<640xf32, #tpu.memory_space<vmem>>, vector<16xf32>,
    %swap3A_75 = vector.shape_cast %swap3A_74 : vector<16xf32> to vector<16xf32>
    %swap3A_76 = vector.shape_cast %broadcast_in_dim3A_72 : vector<16xf32> to vector<16xf32>
    tpu.vector_store %arg7[%swap3A_73], %swap3A_76 {strides = array<i32>} : memref<640xf32, #tpu.memory_space<vmem>>, vector<16xf32>,
    %broadcast_in_dim3A_77 = arith.constant 0.000000e+00 : f32
    %broadcast_in_dim3A_78 = vector.broadcast %broadcast_in_dim3A_77 : f32 to vector<16xf32>
    %swap3A_79 = arith.constant 208 : index
    %swap3A_80 = tpu.vector_load %arg7[%swap3A_79] {strides = array<i32>} : memref<640xf32, #tpu.memory_space<vmem>>, vector<16xf32>,
    %swap3A_81 = vector.shape_cast %swap3A_80 : vector<16xf32> to vector<16xf32>
    %swap3A_82 = vector.shape_cast %broadcast_in_dim3A_78 : vector<16xf32> to vector<16xf32>
    tpu.vector_store %arg7[%swap3A_79], %swap3A_82 {strides = array<i32>} : memref<640xf32, #tpu.memory_space<vmem>>, vector<16xf32>,
    %broadcast_in_dim3A_83 = arith.constant 0.000000e+00 : f32
    %broadcast_in_dim3A_84 = vector.broadcast %broadcast_in_dim3A_83 : f32 to vector<16xf32>
    %swap3A_85 = arith.constant 224 : index
    %swap3A_86 = tpu.vector_load %arg7[%swap3A_85] {strides = array<i32>} : memref<640xf32, #tpu.memory_space<vmem>>, vector<16xf32>,
    %swap3A_87 = vector.shape_cast %swap3A_86 : vector<16xf32> to vector<16xf32>
    %swap3A_88 = vector.shape_cast %broadcast_in_dim3A_84 : vector<16xf32> to vector<16xf32>
    tpu.vector_store %arg7[%swap3A_85], %swap3A_88 {strides = array<i32>} : memref<640xf32, #tpu.memory_space<vmem>>, vector<16xf32>,
    %broadcast_in_dim3A_89 = arith.constant 0.000000e+00 : f32
    %broadcast_in_dim3A_90 = vector.broadcast %broadcast_in_dim3A_89 : f32 to vector<16xf32>
    %swap3A_91 = arith.constant 240 : index
    %swap3A_92 = tpu.vector_load %arg7[%swap3A_91] {strides = array<i32>} : memref<640xf32, #tpu.memory_space<vmem>>, vector<16xf32>,
    %swap3A_93 = vector.shape_cast %swap3A_92 : vector<16xf32> to vector<16xf32>
    %swap3A_94 = vector.shape_cast %broadcast_in_dim3A_90 : vector<16xf32> to vector<16xf32>
    tpu.vector_store %arg7[%swap3A_91], %swap3A_94 {strides = array<i32>} : memref<640xf32, #tpu.memory_space<vmem>>, vector<16xf32>,
    %broadcast_in_dim3A_95 = arith.constant 0.000000e+00 : f32
    %broadcast_in_dim3A_96 = vector.broadcast %broadcast_in_dim3A_95 : f32 to vector<16xf32>
    %swap3A_97 = arith.constant 256 : index
    %swap3A_98 = tpu.vector_load %arg7[%swap3A_97] {strides = array<i32>} : memref<640xf32, #tpu.memory_space<vmem>>, vector<16xf32>,
    %swap3A_99 = vector.shape_cast %swap3A_98 : vector<16xf32> to vector<16xf32>
    %swap3A_100 = vector.shape_cast %broadcast_in_dim3A_96 : vector<16xf32> to vector<16xf32>
    tpu.vector_store %arg7[%swap3A_97], %swap3A_100 {strides = array<i32>} : memref<640xf32, #tpu.memory_space<vmem>>, vector<16xf32>,
    %broadcast_in_dim3A_101 = arith.constant 0.000000e+00 : f32
    %broadcast_in_dim3A_102 = vector.broadcast %broadcast_in_dim3A_101 : f32 to vector<16xf32>
    %swap3A_103 = arith.constant 272 : index
    %swap3A_104 = tpu.vector_load %arg7[%swap3A_103] {strides = array<i32>} : memref<640xf32, #tpu.memory_space<vmem>>, vector<16xf32>,
    %swap3A_105 = vector.shape_cast %swap3A_104 : vector<16xf32> to vector<16xf32>
    %swap3A_106 = vector.shape_cast %broadcast_in_dim3A_102 : vector<16xf32> to vector<16xf32>
    tpu.vector_store %arg7[%swap3A_103], %swap3A_106 {strides = array<i32>} : memref<640xf32, #tpu.memory_space<vmem>>, vector<16xf32>,
    %broadcast_in_dim3A_107 = arith.constant 0.000000e+00 : f32
    %broadcast_in_dim3A_108 = vector.broadcast %broadcast_in_dim3A_107 : f32 to vector<16xf32>
    %swap3A_109 = arith.constant 288 : index
    %swap3A_110 = tpu.vector_load %arg7[%swap3A_109] {strides = array<i32>} : memref<640xf32, #tpu.memory_space<vmem>>, vector<16xf32>,
    %swap3A_111 = vector.shape_cast %swap3A_110 : vector<16xf32> to vector<16xf32>
    %swap3A_112 = vector.shape_cast %broadcast_in_dim3A_108 : vector<16xf32> to vector<16xf32>
    tpu.vector_store %arg7[%swap3A_109], %swap3A_112 {strides = array<i32>} : memref<640xf32, #tpu.memory_space<vmem>>, vector<16xf32>,
    %broadcast_in_dim3A_113 = arith.constant 0.000000e+00 : f32
    %broadcast_in_dim3A_114 = vector.broadcast %broadcast_in_dim3A_113 : f32 to vector<16xf32>
    %swap3A_115 = arith.constant 304 : index
    %swap3A_116 = tpu.vector_load %arg7[%swap3A_115] {strides = array<i32>} : memref<640xf32, #tpu.memory_space<vmem>>, vector<16xf32>,
    %swap3A_117 = vector.shape_cast %swap3A_116 : vector<16xf32> to vector<16xf32>
    %swap3A_118 = vector.shape_cast %broadcast_in_dim3A_114 : vector<16xf32> to vector<16xf32>
    tpu.vector_store %arg7[%swap3A_115], %swap3A_118 {strides = array<i32>} : memref<640xf32, #tpu.memory_space<vmem>>, vector<16xf32>,
    %broadcast_in_dim3A_119 = arith.constant 0.000000e+00 : f32
    %broadcast_in_dim3A_120 = vector.broadcast %broadcast_in_dim3A_119 : f32 to vector<16xf32>
    %swap3A_121 = arith.constant 320 : index
    %swap3A_122 = tpu.vector_load %arg7[%swap3A_121] {strides = array<i32>} : memref<640xf32, #tpu.memory_space<vmem>>, vector<16xf32>,
    %swap3A_123 = vector.shape_cast %swap3A_122 : vector<16xf32> to vector<16xf32>
    %swap3A_124 = vector.shape_cast %broadcast_in_dim3A_120 : vector<16xf32> to vector<16xf32>
    tpu.vector_store %arg7[%swap3A_121], %swap3A_124 {strides = array<i32>} : memref<640xf32, #tpu.memory_space<vmem>>, vector<16xf32>,
    %broadcast_in_dim3A_125 = arith.constant 0.000000e+00 : f32
    %broadcast_in_dim3A_126 = vector.broadcast %broadcast_in_dim3A_125 : f32 to vector<16xf32>
    %swap3A_127 = arith.constant 336 : index
    %swap3A_128 = tpu.vector_load %arg7[%swap3A_127] {strides = array<i32>} : memref<640xf32, #tpu.memory_space<vmem>>, vector<16xf32>,
    %swap3A_129 = vector.shape_cast %swap3A_128 : vector<16xf32> to vector<16xf32>
    %swap3A_130 = vector.shape_cast %broadcast_in_dim3A_126 : vector<16xf32> to vector<16xf32>
    tpu.vector_store %arg7[%swap3A_127], %swap3A_130 {strides = array<i32>} : memref<640xf32, #tpu.memory_space<vmem>>, vector<16xf32>,
    %broadcast_in_dim3A_131 = arith.constant 0.000000e+00 : f32
    %broadcast_in_dim3A_132 = vector.broadcast %broadcast_in_dim3A_131 : f32 to vector<16xf32>
    %swap3A_133 = arith.constant 352 : index
    %swap3A_134 = tpu.vector_load %arg7[%swap3A_133] {strides = array<i32>} : memref<640xf32, #tpu.memory_space<vmem>>, vector<16xf32>,
    %swap3A_135 = vector.shape_cast %swap3A_134 : vector<16xf32> to vector<16xf32>
    %swap3A_136 = vector.shape_cast %broadcast_in_dim3A_132 : vector<16xf32> to vector<16xf32>
    tpu.vector_store %arg7[%swap3A_133], %swap3A_136 {strides = array<i32>} : memref<640xf32, #tpu.memory_space<vmem>>, vector<16xf32>,
    %broadcast_in_dim3A_137 = arith.constant 0.000000e+00 : f32
    %broadcast_in_dim3A_138 = vector.broadcast %broadcast_in_dim3A_137 : f32 to vector<16xf32>
    %swap3A_139 = arith.constant 368 : index
    %swap3A_140 = tpu.vector_load %arg7[%swap3A_139] {strides = array<i32>} : memref<640xf32, #tpu.memory_space<vmem>>, vector<16xf32>,
    %swap3A_141 = vector.shape_cast %swap3A_140 : vector<16xf32> to vector<16xf32>
    %swap3A_142 = vector.shape_cast %broadcast_in_dim3A_138 : vector<16xf32> to vector<16xf32>
    tpu.vector_store %arg7[%swap3A_139], %swap3A_142 {strides = array<i32>} : memref<640xf32, #tpu.memory_space<vmem>>, vector<16xf32>,
    %broadcast_in_dim3A_143 = arith.constant 0.000000e+00 : f32
    %broadcast_in_dim3A_144 = vector.broadcast %broadcast_in_dim3A_143 : f32 to vector<16xf32>
    %swap3A_145 = arith.constant 384 : index
    %swap3A_146 = tpu.vector_load %arg7[%swap3A_145] {strides = array<i32>} : memref<640xf32, #tpu.memory_space<vmem>>, vector<16xf32>,
    %swap3A_147 = vector.shape_cast %swap3A_146 : vector<16xf32> to vector<16xf32>
    %swap3A_148 = vector.shape_cast %broadcast_in_dim3A_144 : vector<16xf32> to vector<16xf32>
    tpu.vector_store %arg7[%swap3A_145], %swap3A_148 {strides = array<i32>} : memref<640xf32, #tpu.memory_space<vmem>>, vector<16xf32>,
    %broadcast_in_dim3A_149 = arith.constant 0.000000e+00 : f32
    %broadcast_in_dim3A_150 = vector.broadcast %broadcast_in_dim3A_149 : f32 to vector<16xf32>
    %swap3A_151 = arith.constant 400 : index
    %swap3A_152 = tpu.vector_load %arg7[%swap3A_151] {strides = array<i32>} : memref<640xf32, #tpu.memory_space<vmem>>, vector<16xf32>,
    %swap3A_153 = vector.shape_cast %swap3A_152 : vector<16xf32> to vector<16xf32>
    %swap3A_154 = vector.shape_cast %broadcast_in_dim3A_150 : vector<16xf32> to vector<16xf32>
    tpu.vector_store %arg7[%swap3A_151], %swap3A_154 {strides = array<i32>} : memref<640xf32, #tpu.memory_space<vmem>>, vector<16xf32>,
    %broadcast_in_dim3A_155 = arith.constant 0.000000e+00 : f32
    %broadcast_in_dim3A_156 = vector.broadcast %broadcast_in_dim3A_155 : f32 to vector<16xf32>
    %swap3A_157 = arith.constant 416 : index
    %swap3A_158 = tpu.vector_load %arg7[%swap3A_157] {strides = array<i32>} : memref<640xf32, #tpu.memory_space<vmem>>, vector<16xf32>,
    %swap3A_159 = vector.shape_cast %swap3A_158 : vector<16xf32> to vector<16xf32>
    %swap3A_160 = vector.shape_cast %broadcast_in_dim3A_156 : vector<16xf32> to vector<16xf32>
    tpu.vector_store %arg7[%swap3A_157], %swap3A_160 {strides = array<i32>} : memref<640xf32, #tpu.memory_space<vmem>>, vector<16xf32>,
    %broadcast_in_dim3A_161 = arith.constant 0.000000e+00 : f32
    %broadcast_in_dim3A_162 = vector.broadcast %broadcast_in_dim3A_161 : f32 to vector<16xf32>
    %swap3A_163 = arith.constant 432 : index
    %swap3A_164 = tpu.vector_load %arg7[%swap3A_163] {strides = array<i32>} : memref<640xf32, #tpu.memory_space<vmem>>, vector<16xf32>,
    %swap3A_165 = vector.shape_cast %swap3A_164 : vector<16xf32> to vector<16xf32>
    %swap3A_166 = vector.shape_cast %broadcast_in_dim3A_162 : vector<16xf32> to vector<16xf32>
    tpu.vector_store %arg7[%swap3A_163], %swap3A_166 {strides = array<i32>} : memref<640xf32, #tpu.memory_space<vmem>>, vector<16xf32>,
    %broadcast_in_dim3A_167 = arith.constant 0.000000e+00 : f32
    %broadcast_in_dim3A_168 = vector.broadcast %broadcast_in_dim3A_167 : f32 to vector<16xf32>
    %swap3A_169 = arith.constant 448 : index
    %swap3A_170 = tpu.vector_load %arg7[%swap3A_169] {strides = array<i32>} : memref<640xf32, #tpu.memory_space<vmem>>, vector<16xf32>,
    %swap3A_171 = vector.shape_cast %swap3A_170 : vector<16xf32> to vector<16xf32>
    %swap3A_172 = vector.shape_cast %broadcast_in_dim3A_168 : vector<16xf32> to vector<16xf32>
    tpu.vector_store %arg7[%swap3A_169], %swap3A_172 {strides = array<i32>} : memref<640xf32, #tpu.memory_space<vmem>>, vector<16xf32>,
    %broadcast_in_dim3A_173 = arith.constant 0.000000e+00 : f32
    %broadcast_in_dim3A_174 = vector.broadcast %broadcast_in_dim3A_173 : f32 to vector<16xf32>
    %swap3A_175 = arith.constant 464 : index
    %swap3A_176 = tpu.vector_load %arg7[%swap3A_175] {strides = array<i32>} : memref<640xf32, #tpu.memory_space<vmem>>, vector<16xf32>,
    %swap3A_177 = vector.shape_cast %swap3A_176 : vector<16xf32> to vector<16xf32>
    %swap3A_178 = vector.shape_cast %broadcast_in_dim3A_174 : vector<16xf32> to vector<16xf32>
    tpu.vector_store %arg7[%swap3A_175], %swap3A_178 {strides = array<i32>} : memref<640xf32, #tpu.memory_space<vmem>>, vector<16xf32>,
    %broadcast_in_dim3A_179 = arith.constant 0.000000e+00 : f32
    %broadcast_in_dim3A_180 = vector.broadcast %broadcast_in_dim3A_179 : f32 to vector<16xf32>
    %swap3A_181 = arith.constant 480 : index
    %swap3A_182 = tpu.vector_load %arg7[%swap3A_181] {strides = array<i32>} : memref<640xf32, #tpu.memory_space<vmem>>, vector<16xf32>,
    %swap3A_183 = vector.shape_cast %swap3A_182 : vector<16xf32> to vector<16xf32>
    %swap3A_184 = vector.shape_cast %broadcast_in_dim3A_180 : vector<16xf32> to vector<16xf32>
    tpu.vector_store %arg7[%swap3A_181], %swap3A_184 {strides = array<i32>} : memref<640xf32, #tpu.memory_space<vmem>>, vector<16xf32>,
    %broadcast_in_dim3A_185 = arith.constant 0.000000e+00 : f32
    %broadcast_in_dim3A_186 = vector.broadcast %broadcast_in_dim3A_185 : f32 to vector<16xf32>
    %swap3A_187 = arith.constant 496 : index
    %swap3A_188 = tpu.vector_load %arg7[%swap3A_187] {strides = array<i32>} : memref<640xf32, #tpu.memory_space<vmem>>, vector<16xf32>,
    %swap3A_189 = vector.shape_cast %swap3A_188 : vector<16xf32> to vector<16xf32>
    %swap3A_190 = vector.shape_cast %broadcast_in_dim3A_186 : vector<16xf32> to vector<16xf32>
    tpu.vector_store %arg7[%swap3A_187], %swap3A_190 {strides = array<i32>} : memref<640xf32, #tpu.memory_space<vmem>>, vector<16xf32>,
    %broadcast_in_dim3A_191 = arith.constant 0.000000e+00 : f32
    %broadcast_in_dim3A_192 = vector.broadcast %broadcast_in_dim3A_191 : f32 to vector<16xf32>
    %swap3A_193 = arith.constant 512 : index
    %swap3A_194 = tpu.vector_load %arg7[%swap3A_193] {strides = array<i32>} : memref<640xf32, #tpu.memory_space<vmem>>, vector<16xf32>,
    %swap3A_195 = vector.shape_cast %swap3A_194 : vector<16xf32> to vector<16xf32>
    %swap3A_196 = vector.shape_cast %broadcast_in_dim3A_192 : vector<16xf32> to vector<16xf32>
    tpu.vector_store %arg7[%swap3A_193], %swap3A_196 {strides = array<i32>} : memref<640xf32, #tpu.memory_space<vmem>>, vector<16xf32>,
    %broadcast_in_dim3A_197 = arith.constant 0.000000e+00 : f32
    %broadcast_in_dim3A_198 = vector.broadcast %broadcast_in_dim3A_197 : f32 to vector<16xf32>
    %swap3A_199 = arith.constant 528 : index
    %swap3A_200 = tpu.vector_load %arg7[%swap3A_199] {strides = array<i32>} : memref<640xf32, #tpu.memory_space<vmem>>, vector<16xf32>,
    %swap3A_201 = vector.shape_cast %swap3A_200 : vector<16xf32> to vector<16xf32>
    %swap3A_202 = vector.shape_cast %broadcast_in_dim3A_198 : vector<16xf32> to vector<16xf32>
    tpu.vector_store %arg7[%swap3A_199], %swap3A_202 {strides = array<i32>} : memref<640xf32, #tpu.memory_space<vmem>>, vector<16xf32>,
    %broadcast_in_dim3A_203 = arith.constant 0.000000e+00 : f32
    %broadcast_in_dim3A_204 = vector.broadcast %broadcast_in_dim3A_203 : f32 to vector<16xf32>
    %swap3A_205 = arith.constant 544 : index
    %swap3A_206 = tpu.vector_load %arg7[%swap3A_205] {strides = array<i32>} : memref<640xf32, #tpu.memory_space<vmem>>, vector<16xf32>,
    %swap3A_207 = vector.shape_cast %swap3A_206 : vector<16xf32> to vector<16xf32>
    %swap3A_208 = vector.shape_cast %broadcast_in_dim3A_204 : vector<16xf32> to vector<16xf32>
    tpu.vector_store %arg7[%swap3A_205], %swap3A_208 {strides = array<i32>} : memref<640xf32, #tpu.memory_space<vmem>>, vector<16xf32>,
    %broadcast_in_dim3A_209 = arith.constant 0.000000e+00 : f32
    %broadcast_in_dim3A_210 = vector.broadcast %broadcast_in_dim3A_209 : f32 to vector<16xf32>
    %swap3A_211 = arith.constant 560 : index
    %swap3A_212 = tpu.vector_load %arg7[%swap3A_211] {strides = array<i32>} : memref<640xf32, #tpu.memory_space<vmem>>, vector<16xf32>,
    %swap3A_213 = vector.shape_cast %swap3A_212 : vector<16xf32> to vector<16xf32>
    %swap3A_214 = vector.shape_cast %broadcast_in_dim3A_210 : vector<16xf32> to vector<16xf32>
    tpu.vector_store %arg7[%swap3A_211], %swap3A_214 {strides = array<i32>} : memref<640xf32, #tpu.memory_space<vmem>>, vector<16xf32>,
    %broadcast_in_dim3A_215 = arith.constant 0.000000e+00 : f32
    %broadcast_in_dim3A_216 = vector.broadcast %broadcast_in_dim3A_215 : f32 to vector<16xf32>
    %swap3A_217 = arith.constant 576 : index
    %swap3A_218 = tpu.vector_load %arg7[%swap3A_217] {strides = array<i32>} : memref<640xf32, #tpu.memory_space<vmem>>, vector<16xf32>,
    %swap3A_219 = vector.shape_cast %swap3A_218 : vector<16xf32> to vector<16xf32>
    %swap3A_220 = vector.shape_cast %broadcast_in_dim3A_216 : vector<16xf32> to vector<16xf32>
    tpu.vector_store %arg7[%swap3A_217], %swap3A_220 {strides = array<i32>} : memref<640xf32, #tpu.memory_space<vmem>>, vector<16xf32>,
    %broadcast_in_dim3A_221 = arith.constant 0.000000e+00 : f32
    %broadcast_in_dim3A_222 = vector.broadcast %broadcast_in_dim3A_221 : f32 to vector<16xf32>
    %swap3A_223 = arith.constant 592 : index
    %swap3A_224 = tpu.vector_load %arg7[%swap3A_223] {strides = array<i32>} : memref<640xf32, #tpu.memory_space<vmem>>, vector<16xf32>,
    %swap3A_225 = vector.shape_cast %swap3A_224 : vector<16xf32> to vector<16xf32>
    %swap3A_226 = vector.shape_cast %broadcast_in_dim3A_222 : vector<16xf32> to vector<16xf32>
    tpu.vector_store %arg7[%swap3A_223], %swap3A_226 {strides = array<i32>} : memref<640xf32, #tpu.memory_space<vmem>>, vector<16xf32>,
    %broadcast_in_dim3A_227 = arith.constant 0.000000e+00 : f32
    %broadcast_in_dim3A_228 = vector.broadcast %broadcast_in_dim3A_227 : f32 to vector<16xf32>
    %swap3A_229 = arith.constant 608 : index
    %swap3A_230 = tpu.vector_load %arg7[%swap3A_229] {strides = array<i32>} : memref<640xf32, #tpu.memory_space<vmem>>, vector<16xf32>,
    %swap3A_231 = vector.shape_cast %swap3A_230 : vector<16xf32> to vector<16xf32>
    %swap3A_232 = vector.shape_cast %broadcast_in_dim3A_228 : vector<16xf32> to vector<16xf32>
    tpu.vector_store %arg7[%swap3A_229], %swap3A_232 {strides = array<i32>} : memref<640xf32, #tpu.memory_space<vmem>>, vector<16xf32>,
    %broadcast_in_dim3A_233 = arith.constant 0.000000e+00 : f32
    %broadcast_in_dim3A_234 = vector.broadcast %broadcast_in_dim3A_233 : f32 to vector<16xf32>
    %swap3A_235 = arith.constant 624 : index
    %swap3A_236 = tpu.vector_load %arg7[%swap3A_235] {strides = array<i32>} : memref<640xf32, #tpu.memory_space<vmem>>, vector<16xf32>,
    %swap3A_237 = vector.shape_cast %swap3A_236 : vector<16xf32> to vector<16xf32>
    %swap3A_238 = vector.shape_cast %broadcast_in_dim3A_234 : vector<16xf32> to vector<16xf32>
    tpu.vector_store %arg7[%swap3A_235], %swap3A_238 {strides = array<i32>} : memref<640xf32, #tpu.memory_space<vmem>>, vector<16xf32>,
    %mul3A_239 = arith.constant 640 : i32
    %mul3A_240 = arith.muli %arg1, %mul3A_239 : i32
    %multiple_of3A = tpu.assume_multiple %mul3A_240, 8 : i32
    "tpu.region"() ({
      %run_scoped3A = tpu.sem_alloc : memref<!tpu.dma_semaphore, #tpu.memory_space<semaphore_mem>>
      %dma_start3A = tpu.memref_slice %arg8[%multiple_of3A] : memref<10240xf32, #tpu.memory_space<vmem_shared>> -> memref<640xf32, #tpu.memory_space<vmem_shared>>
      %dma_start3A_247 = tpu.memref_slice %arg8[%multiple_of3A] : memref<10240xf32, #tpu.memory_space<vmem_shared>> -> memref<640xf32, #tpu.memory_space<vmem_shared>>
      tpu.enqueue_dma source(%arg7 : memref<640xf32, #tpu.memory_space<vmem>>) target(%dma_start3A_247 : memref<640xf32, #tpu.memory_space<vmem_shared>>) target_semaphore(%run_scoped3A : memref<!tpu.dma_semaphore, #tpu.memory_space<semaphore_mem>>)
      %dma_wait3A = tpu.memref_slice %arg8[%multiple_of3A] : memref<10240xf32, #tpu.memory_space<vmem_shared>> -> memref<640xf32, #tpu.memory_space<vmem_shared>>
      %dma_wait3A_248 = tpu.memref_slice %arg8[%multiple_of3A] : memref<10240xf32, #tpu.memory_space<vmem_shared>> -> memref<640xf32, #tpu.memory_space<vmem_shared>>
      tpu.wait_dma2 semaphore(%run_scoped3A : memref<!tpu.dma_semaphore, #tpu.memory_space<semaphore_mem>>) src(%arg7 : memref<640xf32, #tpu.memory_space<vmem>>) dst(%dma_wait3A_248 : memref<640xf32, #tpu.memory_space<vmem_shared>>)
      tpu.yield
    }) : () -> ()
    %barrier3A = arith.constant 0 : index
    tpu.barrier barrier_id(%barrier3A)
    %scan3A = arith.constant 0 : i32
    %scan3A_241 = arith.constant 0 : i32
    %scan3A_242 = arith.constant 63 : i32
    %scan3A_243 = arith.addi %scan3A_241, %scan3A_242 : i32
    %scan3A_244 = arith.constant 1 : i32
    scf.for %scan3A_247 = %scan3A_241 to %scan3A_243 step %scan3A_244  : i32 {
      %mul3A_248 = arith.constant 2 : i32
      %mul3A_249 = arith.muli %scan3A_247, %mul3A_248 : i32
      %dma_start3A = arith.constant 0 : i32
      %dma_start3A_250 = tpu.memref_slice %arg5[%mul3A_249, %dma_start3A] : memref<126x80xi32, #tpu.memory_space<vmem>> -> memref<1x80xi32, #tpu.memory_space<vmem>>
      %dma_start3A_251 = tpu.memref_squeeze %dma_start3A_250 : memref<1x80xi32, #tpu.memory_space<vmem>> -> memref<80xi32, #tpu.memory_space<vmem>>
      %dma_start3A_252 = arith.constant 0 : i32
      %dma_start3A_253 = tpu.memref_slice %arg8[%dma_start3A_252] : memref<10240xf32, #tpu.memory_space<vmem_shared>> -> memref<10240xf32, #tpu.memory_space<vmem_shared>>
      tpu.enqueue_indirect_dma source(%arg6 : memref<80xf32, #tpu.memory_space<vmem>>) target(%dma_start3A_253 : memref<10240xf32, #tpu.memory_space<vmem_shared>>) offsets(%dma_start3A_251 : memref<80xi32, #tpu.memory_space<vmem>>) semaphore(%arg9 : memref<!tpu.dma_semaphore, #tpu.memory_space<semaphore_mem>>) {add = true}
      %add3A_254 = arith.constant 1 : i32
      %add3A_255 = arith.addi %mul3A_249, %add3A_254 : i32
      %dma_start3A_256 = arith.constant 0 : i32
      %dma_start3A_257 = tpu.memref_slice %arg5[%add3A_255, %dma_start3A_256] : memref<126x80xi32, #tpu.memory_space<vmem>> -> memref<1x80xi32, #tpu.memory_space<vmem>>
      %dma_start3A_258 = tpu.memref_squeeze %dma_start3A_257 : memref<1x80xi32, #tpu.memory_space<vmem>> -> memref<80xi32, #tpu.memory_space<vmem>>
      %dma_start3A_259 = arith.constant 0 : i32
      %dma_start3A_260 = tpu.memref_slice %arg8[%dma_start3A_259] : memref<10240xf32, #tpu.memory_space<vmem_shared>> -> memref<10240xf32, #tpu.memory_space<vmem_shared>>
      tpu.enqueue_indirect_dma source(%arg6 : memref<80xf32, #tpu.memory_space<vmem>>) target(%dma_start3A_260 : memref<10240xf32, #tpu.memory_space<vmem_shared>>) offsets(%dma_start3A_258 : memref<80xi32, #tpu.memory_space<vmem>>) semaphore(%arg10 : memref<!tpu.dma_semaphore, #tpu.memory_space<semaphore_mem>>) {add = true}
      %dma_wait3A = arith.constant 0 : i32
      %dma_wait3A_261 = tpu.memref_slice %arg5[%mul3A_249, %dma_wait3A] : memref<126x80xi32, #tpu.memory_space<vmem>> -> memref<1x80xi32, #tpu.memory_space<vmem>>
      %dma_wait3A_262 = tpu.memref_squeeze %dma_wait3A_261 : memref<1x80xi32, #tpu.memory_space<vmem>> -> memref<80xi32, #tpu.memory_space<vmem>>
      %dma_wait3A_263 = arith.constant 0 : i32
      %dma_wait3A_264 = tpu.memref_slice %arg8[%dma_wait3A_263] : memref<10240xf32, #tpu.memory_space<vmem_shared>> -> memref<10240xf32, #tpu.memory_space<vmem_shared>>
      tpu.wait_indirect_dma semaphore(%arg9 : memref<!tpu.dma_semaphore, #tpu.memory_space<semaphore_mem>>) src(%arg6 : memref<80xf32, #tpu.memory_space<vmem>>) dst(%dma_wait3A_264 : memref<10240xf32, #tpu.memory_space<vmem_shared>>)
      %add3A_265 = arith.constant 1 : i32
      %add3A_266 = arith.addi %mul3A_249, %add3A_265 : i32
      %dma_wait3A_267 = arith.constant 0 : i32
      %dma_wait3A_268 = tpu.memref_slice %arg5[%add3A_266, %dma_wait3A_267] : memref<126x80xi32, #tpu.memory_space<vmem>> -> memref<1x80xi32, #tpu.memory_space<vmem>>
      %dma_wait3A_269 = tpu.memref_squeeze %dma_wait3A_268 : memref<1x80xi32, #tpu.memory_space<vmem>> -> memref<80xi32, #tpu.memory_space<vmem>>
      %dma_wait3A_270 = arith.constant 0 : i32
      %dma_wait3A_271 = tpu.memref_slice %arg8[%dma_wait3A_270] : memref<10240xf32, #tpu.memory_space<vmem_shared>> -> memref<10240xf32, #tpu.memory_space<vmem_shared>>
      tpu.wait_indirect_dma semaphore(%arg10 : memref<!tpu.dma_semaphore, #tpu.memory_space<semaphore_mem>>) src(%arg6 : memref<80xf32, #tpu.memory_space<vmem>>) dst(%dma_wait3A_271 : memref<10240xf32, #tpu.memory_space<vmem_shared>>)
    }
    %scan3A_245 = arith.constant 63 : i32
    %barrier3A_246 = arith.constant 0 : index
    tpu.barrier barrier_id(%barrier3A_246)
    "tpu.region"() ({
      %run_scoped3A = tpu.sem_alloc : memref<!tpu.dma_semaphore, #tpu.memory_space<semaphore_mem>>
      %dma_start3A = tpu.memref_slice %arg4[%arg0, %multiple_of3A] : memref<2x10240xf32, #tpu.memory_space<hbm>> -> memref<1x640xf32, #tpu.memory_space<hbm>>
      %dma_start3A_247 = tpu.memref_squeeze %dma_start3A : memref<1x640xf32, #tpu.memory_space<hbm>> -> memref<640xf32, #tpu.memory_space<hbm>>
      %dma_start3A_248 = tpu.memref_slice %arg8[%multiple_of3A] : memref<10240xf32, #tpu.memory_space<vmem_shared>> -> memref<640xf32, #tpu.memory_space<vmem_shared>>
      tpu.enqueue_dma source(%dma_start3A_248 : memref<640xf32, #tpu.memory_space<vmem_shared>>) target(%dma_start3A_247 : memref<640xf32, #tpu.memory_space<hbm>>) target_semaphore(%run_scoped3A : memref<!tpu.dma_semaphore, #tpu.memory_space<semaphore_mem>>)
      %dma_wait3A = tpu.memref_slice %arg4[%arg0, %multiple_of3A] : memref<2x10240xf32, #tpu.memory_space<hbm>> -> memref<1x640xf32, #tpu.memory_space<hbm>>
      %dma_wait3A_249 = tpu.memref_squeeze %dma_wait3A : memref<1x640xf32, #tpu.memory_space<hbm>> -> memref<640xf32, #tpu.memory_space<hbm>>
      %dma_wait3A_250 = tpu.memref_slice %arg8[%multiple_of3A] : memref<10240xf32, #tpu.memory_space<vmem_shared>> -> memref<640xf32, #tpu.memory_space<vmem_shared>>
      tpu.wait_dma2 semaphore(%run_scoped3A : memref<!tpu.dma_semaphore, #tpu.memory_space<semaphore_mem>>) src(%dma_wait3A_250 : memref<640xf32, #tpu.memory_space<vmem_shared>>) dst(%dma_wait3A_249 : memref<640xf32, #tpu.memory_space<hbm>>)
      tpu.yield
    }) : () -> ()
    return
  }
}

#map = affine_map<(d0, d1) -> (0, 0)>
#map1 = affine_map<(d0, d1) -> (0)>
#map2 = affine_map<(d0, d1) -> (0, 0, 0, 0)>
#map3 = affine_map<(d0, d1) -> (0, 0, 0)>
module attributes {stable_mosaic.version = 14 : i64} {
  func.func @agg_kernel(%arg0: i32, %arg1: i32, %arg2: memref<10240x128xf32, #tpu.memory_space<hbm>>, %arg3: memref<322560xi32, #tpu.memory_space<hbm>>, %arg4: memref<32x42x3x80xi32, #tpu.memory_space<hbm>>, %arg5: memref<640x128xf32, #tpu.memory_space<hbm>>, %arg6: memref<2x10240x128xf32, #tpu.memory_space<hbm>>, %arg7: memref<240xi32, #tpu.memory_space<vmem>>, %arg8: memref<240xi32, #tpu.memory_space<vmem>>, %arg9: memref<3x80xi32, #tpu.memory_space<vmem>>, %arg10: memref<3x80xi32, #tpu.memory_space<vmem>>, %arg11: memref<80x128xf32, #tpu.memory_space<vmem>>, %arg12: memref<80x128xf32, #tpu.memory_space<vmem>>, %arg13: memref<80x128xf32, #tpu.memory_space<vmem>>, %arg14: memref<10240x128xf32, #tpu.memory_space<vmem_shared>>, %arg15: memref<!tpu.dma_semaphore, #tpu.memory_space<semaphore_mem>>, %arg16: memref<!tpu.dma_semaphore, #tpu.memory_space<semaphore_mem>>, %arg17: memref<!tpu.dma_semaphore, #tpu.memory_space<semaphore_mem>>, %arg18: memref<!tpu.dma_semaphore, #tpu.memory_space<semaphore_mem>>, %arg19: memref<!tpu.dma_semaphore, #tpu.memory_space<semaphore_mem>>, %arg20: memref<!tpu.dma_semaphore, #tpu.memory_space<semaphore_mem>>, %arg21: memref<!tpu.dma_semaphore, #tpu.memory_space<semaphore_mem>>, %arg22: memref<!tpu.dma_semaphore, #tpu.memory_space<semaphore_mem>>) attributes {dimension_semantics = [#tpu.dimension_semantics<core_parallel>, #tpu.dimension_semantics<subcore_parallel>], iteration_bounds = array<i64: 2, 16>, scalar_prefetch = 0 : i64, scratch_operands = 16 : i64, tpu.core_type = #tpu.core_type<sc_vector_subcore>, window_params = [{transform_indices = #map}, {transform_indices = #map1}, {transform_indices = #map2}, {transform_indices = #map}, {transform_indices = #map3}]} {
    %mul3A = arith.constant 2 : i32
    %mul3A_0 = arith.muli %arg1, %mul3A : i32
    %add3A = arith.addi %mul3A_0, %arg0 : i32
    %mul3A_1 = arith.constant 640 : i32
    %mul3A_2 = arith.muli %arg1, %mul3A_1 : i32
    %multiple_of3A = tpu.assume_multiple %mul3A_2, 8 : i32
    "tpu.region"() ({
      %run_scoped3A = tpu.sem_alloc : memref<!tpu.dma_semaphore, #tpu.memory_space<semaphore_mem>>
      %dma_start3A_215 = arith.constant 0 : i32
      %dma_start3A_216 = tpu.memref_slice %arg14[%multiple_of3A, %dma_start3A_215] : memref<10240x128xf32, #tpu.memory_space<vmem_shared>> -> memref<640x128xf32, #tpu.memory_space<vmem_shared>>
      tpu.enqueue_dma source(%arg5 : memref<640x128xf32, #tpu.memory_space<hbm>>) target(%dma_start3A_216 : memref<640x128xf32, #tpu.memory_space<vmem_shared>>) target_semaphore(%run_scoped3A : memref<!tpu.dma_semaphore, #tpu.memory_space<semaphore_mem>>)
      %dma_wait3A_217 = arith.constant 0 : i32
      %dma_wait3A_218 = tpu.memref_slice %arg14[%multiple_of3A, %dma_wait3A_217] : memref<10240x128xf32, #tpu.memory_space<vmem_shared>> -> memref<640x128xf32, #tpu.memory_space<vmem_shared>>
      tpu.wait_dma2 semaphore(%run_scoped3A : memref<!tpu.dma_semaphore, #tpu.memory_space<semaphore_mem>>) src(%arg5 : memref<640x128xf32, #tpu.memory_space<hbm>>) dst(%dma_wait3A_218 : memref<640x128xf32, #tpu.memory_space<vmem_shared>>)
      tpu.yield
    }) : () -> ()
    %barrier3A = arith.constant 0 : index
    tpu.barrier barrier_id(%barrier3A)
    %mul3A_3 = arith.constant 10080 : i32
    %mul3A_4 = arith.muli %add3A, %mul3A_3 : i32
    %add3A_5 = arith.constant 0 : i32
    %add3A_6 = arith.addi %mul3A_4, %add3A_5 : i32
    %multiple_of3A_7 = tpu.assume_multiple %add3A_6, 8 : i32
    %dma_start3A = tpu.memref_slice %arg3[%multiple_of3A_7] : memref<322560xi32, #tpu.memory_space<hbm>> -> memref<240xi32, #tpu.memory_space<hbm>>
    %dma_start3A_8 = tpu.memref_slice %arg3[%multiple_of3A_7] : memref<322560xi32, #tpu.memory_space<hbm>> -> memref<240xi32, #tpu.memory_space<hbm>>
    tpu.enqueue_dma source(%dma_start3A_8 : memref<240xi32, #tpu.memory_space<hbm>>) target(%arg7 : memref<240xi32, #tpu.memory_space<vmem>>) target_semaphore(%arg21 : memref<!tpu.dma_semaphore, #tpu.memory_space<semaphore_mem>>)
    %dma_start3A_9 = arith.constant 0 : i32
    %dma_start3A_10 = arith.constant 0 : i32
    %dma_start3A_11 = arith.constant 0 : i32
    %dma_start3A_12 = tpu.memref_slice %arg4[%add3A, %dma_start3A_9, %dma_start3A_10, %dma_start3A_11] : memref<32x42x3x80xi32, #tpu.memory_space<hbm>> -> memref<1x1x3x80xi32, #tpu.memory_space<hbm>>
    %dma_start3A_13 = tpu.memref_squeeze %dma_start3A_12 : memref<1x1x3x80xi32, #tpu.memory_space<hbm>> -> memref<3x80xi32, #tpu.memory_space<hbm>>
    %dma_start3A_14 = arith.constant 0 : i32
    %dma_start3A_15 = arith.constant 0 : i32
    %dma_start3A_16 = tpu.memref_slice %arg4[%add3A, %dma_start3A_9, %dma_start3A_14, %dma_start3A_15] : memref<32x42x3x80xi32, #tpu.memory_space<hbm>> -> memref<1x1x3x80xi32, #tpu.memory_space<hbm>>
    %dma_start3A_17 = tpu.memref_squeeze %dma_start3A_16 : memref<1x1x3x80xi32, #tpu.memory_space<hbm>> -> memref<3x80xi32, #tpu.memory_space<hbm>>
    tpu.enqueue_dma source(%dma_start3A_17 : memref<3x80xi32, #tpu.memory_space<hbm>>) target(%arg9 : memref<3x80xi32, #tpu.memory_space<vmem>>) target_semaphore(%arg21 : memref<!tpu.dma_semaphore, #tpu.memory_space<semaphore_mem>>)
    %mul3A_18 = arith.constant 10080 : i32
    %mul3A_19 = arith.muli %add3A, %mul3A_18 : i32
    %add3A_20 = arith.constant 0 : i32
    %add3A_21 = arith.addi %mul3A_19, %add3A_20 : i32
    %multiple_of3A_22 = tpu.assume_multiple %add3A_21, 8 : i32
    %dma_wait3A = tpu.memref_slice %arg3[%multiple_of3A_22] : memref<322560xi32, #tpu.memory_space<hbm>> -> memref<240xi32, #tpu.memory_space<hbm>>
    %dma_wait3A_23 = tpu.memref_slice %arg3[%multiple_of3A_22] : memref<322560xi32, #tpu.memory_space<hbm>> -> memref<240xi32, #tpu.memory_space<hbm>>
    tpu.wait_dma2 semaphore(%arg21 : memref<!tpu.dma_semaphore, #tpu.memory_space<semaphore_mem>>) src(%dma_wait3A_23 : memref<240xi32, #tpu.memory_space<hbm>>) dst(%arg7 : memref<240xi32, #tpu.memory_space<vmem>>)
    %dma_wait3A_24 = arith.constant 0 : i32
    %dma_wait3A_25 = arith.constant 0 : i32
    %dma_wait3A_26 = arith.constant 0 : i32
    %dma_wait3A_27 = tpu.memref_slice %arg4[%add3A, %dma_wait3A_24, %dma_wait3A_25, %dma_wait3A_26] : memref<32x42x3x80xi32, #tpu.memory_space<hbm>> -> memref<1x1x3x80xi32, #tpu.memory_space<hbm>>
    %dma_wait3A_28 = tpu.memref_squeeze %dma_wait3A_27 : memref<1x1x3x80xi32, #tpu.memory_space<hbm>> -> memref<3x80xi32, #tpu.memory_space<hbm>>
    %dma_wait3A_29 = arith.constant 0 : i32
    %dma_wait3A_30 = arith.constant 0 : i32
    %dma_wait3A_31 = tpu.memref_slice %arg4[%add3A, %dma_wait3A_24, %dma_wait3A_29, %dma_wait3A_30] : memref<32x42x3x80xi32, #tpu.memory_space<hbm>> -> memref<1x1x3x80xi32, #tpu.memory_space<hbm>>
    %dma_wait3A_32 = tpu.memref_squeeze %dma_wait3A_31 : memref<1x1x3x80xi32, #tpu.memory_space<hbm>> -> memref<3x80xi32, #tpu.memory_space<hbm>>
    tpu.wait_dma2 semaphore(%arg21 : memref<!tpu.dma_semaphore, #tpu.memory_space<semaphore_mem>>) src(%dma_wait3A_32 : memref<3x80xi32, #tpu.memory_space<hbm>>) dst(%arg9 : memref<3x80xi32, #tpu.memory_space<vmem>>)
    %dma_start3A_33 = arith.constant 0 : i32
    %dma_start3A_34 = tpu.memref_slice %arg7[%dma_start3A_33] : memref<240xi32, #tpu.memory_space<vmem>> -> memref<80xi32, #tpu.memory_space<vmem>>
    %dma_start3A_35 = arith.constant 0 : i32
    %dma_start3A_36 = arith.constant 0 : i32
    %dma_start3A_37 = tpu.memref_slice %arg2[%dma_start3A_35, %dma_start3A_36] : memref<10240x128xf32, #tpu.memory_space<hbm>> -> memref<10240x128xf32, #tpu.memory_space<hbm>>
    tpu.enqueue_indirect_dma source(%dma_start3A_37 : memref<10240x128xf32, #tpu.memory_space<hbm>>) target(%arg11 : memref<80x128xf32, #tpu.memory_space<vmem>>) offsets(%dma_start3A_34 : memref<80xi32, #tpu.memory_space<vmem>>) semaphore(%arg15 : memref<!tpu.dma_semaphore, #tpu.memory_space<semaphore_mem>>)
    %dma_start3A_38 = arith.constant 80 : i32
    %dma_start3A_39 = tpu.memref_slice %arg7[%dma_start3A_38] : memref<240xi32, #tpu.memory_space<vmem>> -> memref<80xi32, #tpu.memory_space<vmem>>
    %dma_start3A_40 = arith.constant 0 : i32
    %dma_start3A_41 = arith.constant 0 : i32
    %dma_start3A_42 = tpu.memref_slice %arg2[%dma_start3A_40, %dma_start3A_41] : memref<10240x128xf32, #tpu.memory_space<hbm>> -> memref<10240x128xf32, #tpu.memory_space<hbm>>
    tpu.enqueue_indirect_dma source(%dma_start3A_42 : memref<10240x128xf32, #tpu.memory_space<hbm>>) target(%arg12 : memref<80x128xf32, #tpu.memory_space<vmem>>) offsets(%dma_start3A_39 : memref<80xi32, #tpu.memory_space<vmem>>) semaphore(%arg16 : memref<!tpu.dma_semaphore, #tpu.memory_space<semaphore_mem>>)
    %mul3A_43 = arith.constant 10080 : i32
    %mul3A_44 = arith.muli %add3A, %mul3A_43 : i32
    %add3A_45 = arith.constant 240 : i32
    %add3A_46 = arith.addi %mul3A_44, %add3A_45 : i32
    %multiple_of3A_47 = tpu.assume_multiple %add3A_46, 8 : i32
    %dma_start3A_48 = tpu.memref_slice %arg3[%multiple_of3A_47] : memref<322560xi32, #tpu.memory_space<hbm>> -> memref<240xi32, #tpu.memory_space<hbm>>
    %dma_start3A_49 = tpu.memref_slice %arg3[%multiple_of3A_47] : memref<322560xi32, #tpu.memory_space<hbm>> -> memref<240xi32, #tpu.memory_space<hbm>>
    tpu.enqueue_dma source(%dma_start3A_49 : memref<240xi32, #tpu.memory_space<hbm>>) target(%arg8 : memref<240xi32, #tpu.memory_space<vmem>>) target_semaphore(%arg22 : memref<!tpu.dma_semaphore, #tpu.memory_space<semaphore_mem>>)
    %dma_start3A_50 = arith.constant 1 : i32
    %dma_start3A_51 = arith.constant 0 : i32
    %dma_start3A_52 = arith.constant 0 : i32
    %dma_start3A_53 = tpu.memref_slice %arg4[%add3A, %dma_start3A_50, %dma_start3A_51, %dma_start3A_52] : memref<32x42x3x80xi32, #tpu.memory_space<hbm>> -> memref<1x1x3x80xi32, #tpu.memory_space<hbm>>
    %dma_start3A_54 = tpu.memref_squeeze %dma_start3A_53 : memref<1x1x3x80xi32, #tpu.memory_space<hbm>> -> memref<3x80xi32, #tpu.memory_space<hbm>>
    %dma_start3A_55 = arith.constant 0 : i32
    %dma_start3A_56 = arith.constant 0 : i32
    %dma_start3A_57 = tpu.memref_slice %arg4[%add3A, %dma_start3A_50, %dma_start3A_55, %dma_start3A_56] : memref<32x42x3x80xi32, #tpu.memory_space<hbm>> -> memref<1x1x3x80xi32, #tpu.memory_space<hbm>>
    %dma_start3A_58 = tpu.memref_squeeze %dma_start3A_57 : memref<1x1x3x80xi32, #tpu.memory_space<hbm>> -> memref<3x80xi32, #tpu.memory_space<hbm>>
    tpu.enqueue_dma source(%dma_start3A_58 : memref<3x80xi32, #tpu.memory_space<hbm>>) target(%arg10 : memref<3x80xi32, #tpu.memory_space<vmem>>) target_semaphore(%arg22 : memref<!tpu.dma_semaphore, #tpu.memory_space<semaphore_mem>>)
    %dma_wait3A_59 = arith.constant 0 : i32
    %dma_wait3A_60 = tpu.memref_slice %arg7[%dma_wait3A_59] : memref<240xi32, #tpu.memory_space<vmem>> -> memref<80xi32, #tpu.memory_space<vmem>>
    %dma_wait3A_61 = arith.constant 0 : i32
    %dma_wait3A_62 = arith.constant 0 : i32
    %dma_wait3A_63 = tpu.memref_slice %arg2[%dma_wait3A_61, %dma_wait3A_62] : memref<10240x128xf32, #tpu.memory_space<hbm>> -> memref<10240x128xf32, #tpu.memory_space<hbm>>
    tpu.wait_indirect_dma semaphore(%arg15 : memref<!tpu.dma_semaphore, #tpu.memory_space<semaphore_mem>>) src(%dma_wait3A_63 : memref<10240x128xf32, #tpu.memory_space<hbm>>) dst(%arg11 : memref<80x128xf32, #tpu.memory_space<vmem>>)
    %dma_start3A_64 = arith.constant 0 : i32
    %dma_start3A_65 = arith.constant 0 : i32
    %dma_start3A_66 = tpu.memref_slice %arg9[%dma_start3A_64, %dma_start3A_65] : memref<3x80xi32, #tpu.memory_space<vmem>> -> memref<1x80xi32, #tpu.memory_space<vmem>>
    %dma_start3A_67 = tpu.memref_squeeze %dma_start3A_66 : memref<1x80xi32, #tpu.memory_space<vmem>> -> memref<80xi32, #tpu.memory_space<vmem>>
    %dma_start3A_68 = arith.constant 0 : i32
    %dma_start3A_69 = arith.constant 0 : i32
    %dma_start3A_70 = tpu.memref_slice %arg14[%dma_start3A_68, %dma_start3A_69] : memref<10240x128xf32, #tpu.memory_space<vmem_shared>> -> memref<10240x128xf32, #tpu.memory_space<vmem_shared>>
    tpu.enqueue_indirect_dma source(%arg11 : memref<80x128xf32, #tpu.memory_space<vmem>>) target(%dma_start3A_70 : memref<10240x128xf32, #tpu.memory_space<vmem_shared>>) offsets(%dma_start3A_67 : memref<80xi32, #tpu.memory_space<vmem>>) semaphore(%arg18 : memref<!tpu.dma_semaphore, #tpu.memory_space<semaphore_mem>>) {add = true}
    %dma_start3A_71 = arith.constant 160 : i32
    %dma_start3A_72 = tpu.memref_slice %arg7[%dma_start3A_71] : memref<240xi32, #tpu.memory_space<vmem>> -> memref<80xi32, #tpu.memory_space<vmem>>
    %dma_start3A_73 = arith.constant 0 : i32
    %dma_start3A_74 = arith.constant 0 : i32
    %dma_start3A_75 = tpu.memref_slice %arg2[%dma_start3A_73, %dma_start3A_74] : memref<10240x128xf32, #tpu.memory_space<hbm>> -> memref<10240x128xf32, #tpu.memory_space<hbm>>
    tpu.enqueue_indirect_dma source(%dma_start3A_75 : memref<10240x128xf32, #tpu.memory_space<hbm>>) target(%arg13 : memref<80x128xf32, #tpu.memory_space<vmem>>) offsets(%dma_start3A_72 : memref<80xi32, #tpu.memory_space<vmem>>) semaphore(%arg17 : memref<!tpu.dma_semaphore, #tpu.memory_space<semaphore_mem>>)
    %dma_wait3A_76 = arith.constant 80 : i32
    %dma_wait3A_77 = tpu.memref_slice %arg7[%dma_wait3A_76] : memref<240xi32, #tpu.memory_space<vmem>> -> memref<80xi32, #tpu.memory_space<vmem>>
    %dma_wait3A_78 = arith.constant 0 : i32
    %dma_wait3A_79 = arith.constant 0 : i32
    %dma_wait3A_80 = tpu.memref_slice %arg2[%dma_wait3A_78, %dma_wait3A_79] : memref<10240x128xf32, #tpu.memory_space<hbm>> -> memref<10240x128xf32, #tpu.memory_space<hbm>>
    tpu.wait_indirect_dma semaphore(%arg16 : memref<!tpu.dma_semaphore, #tpu.memory_space<semaphore_mem>>) src(%dma_wait3A_80 : memref<10240x128xf32, #tpu.memory_space<hbm>>) dst(%arg12 : memref<80x128xf32, #tpu.memory_space<vmem>>)
    %dma_start3A_81 = arith.constant 1 : i32
    %dma_start3A_82 = arith.constant 0 : i32
    %dma_start3A_83 = tpu.memref_slice %arg9[%dma_start3A_81, %dma_start3A_82] : memref<3x80xi32, #tpu.memory_space<vmem>> -> memref<1x80xi32, #tpu.memory_space<vmem>>
    %dma_start3A_84 = tpu.memref_squeeze %dma_start3A_83 : memref<1x80xi32, #tpu.memory_space<vmem>> -> memref<80xi32, #tpu.memory_space<vmem>>
    %dma_start3A_85 = arith.constant 0 : i32
    %dma_start3A_86 = arith.constant 0 : i32
    %dma_start3A_87 = tpu.memref_slice %arg14[%dma_start3A_85, %dma_start3A_86] : memref<10240x128xf32, #tpu.memory_space<vmem_shared>> -> memref<10240x128xf32, #tpu.memory_space<vmem_shared>>
    tpu.enqueue_indirect_dma source(%arg12 : memref<80x128xf32, #tpu.memory_space<vmem>>) target(%dma_start3A_87 : memref<10240x128xf32, #tpu.memory_space<vmem_shared>>) offsets(%dma_start3A_84 : memref<80xi32, #tpu.memory_space<vmem>>) semaphore(%arg19 : memref<!tpu.dma_semaphore, #tpu.memory_space<semaphore_mem>>) {add = true}
    %dma_wait3A_88 = arith.constant 0 : i32
    %dma_wait3A_89 = arith.constant 0 : i32
    %dma_wait3A_90 = tpu.memref_slice %arg9[%dma_wait3A_88, %dma_wait3A_89] : memref<3x80xi32, #tpu.memory_space<vmem>> -> memref<1x80xi32, #tpu.memory_space<vmem>>
    %dma_wait3A_91 = tpu.memref_squeeze %dma_wait3A_90 : memref<1x80xi32, #tpu.memory_space<vmem>> -> memref<80xi32, #tpu.memory_space<vmem>>
    %dma_wait3A_92 = arith.constant 0 : i32
    %dma_wait3A_93 = arith.constant 0 : i32
    %dma_wait3A_94 = tpu.memref_slice %arg14[%dma_wait3A_92, %dma_wait3A_93] : memref<10240x128xf32, #tpu.memory_space<vmem_shared>> -> memref<10240x128xf32, #tpu.memory_space<vmem_shared>>
    tpu.wait_indirect_dma semaphore(%arg18 : memref<!tpu.dma_semaphore, #tpu.memory_space<semaphore_mem>>) src(%arg11 : memref<80x128xf32, #tpu.memory_space<vmem>>) dst(%dma_wait3A_94 : memref<10240x128xf32, #tpu.memory_space<vmem_shared>>)
    %mul3A_95 = arith.constant 10080 : i32
    %mul3A_96 = arith.muli %add3A, %mul3A_95 : i32
    %add3A_97 = arith.constant 240 : i32
    %add3A_98 = arith.addi %mul3A_96, %add3A_97 : i32
    %multiple_of3A_99 = tpu.assume_multiple %add3A_98, 8 : i32
    %dma_wait3A_100 = tpu.memref_slice %arg3[%multiple_of3A_99] : memref<322560xi32, #tpu.memory_space<hbm>> -> memref<240xi32, #tpu.memory_space<hbm>>
    %dma_wait3A_101 = tpu.memref_slice %arg3[%multiple_of3A_99] : memref<322560xi32, #tpu.memory_space<hbm>> -> memref<240xi32, #tpu.memory_space<hbm>>
    tpu.wait_dma2 semaphore(%arg22 : memref<!tpu.dma_semaphore, #tpu.memory_space<semaphore_mem>>) src(%dma_wait3A_101 : memref<240xi32, #tpu.memory_space<hbm>>) dst(%arg8 : memref<240xi32, #tpu.memory_space<vmem>>)
    %dma_wait3A_102 = arith.constant 1 : i32
    %dma_wait3A_103 = arith.constant 0 : i32
    %dma_wait3A_104 = arith.constant 0 : i32
    %dma_wait3A_105 = tpu.memref_slice %arg4[%add3A, %dma_wait3A_102, %dma_wait3A_103, %dma_wait3A_104] : memref<32x42x3x80xi32, #tpu.memory_space<hbm>> -> memref<1x1x3x80xi32, #tpu.memory_space<hbm>>
    %dma_wait3A_106 = tpu.memref_squeeze %dma_wait3A_105 : memref<1x1x3x80xi32, #tpu.memory_space<hbm>> -> memref<3x80xi32, #tpu.memory_space<hbm>>
    %dma_wait3A_107 = arith.constant 0 : i32
    %dma_wait3A_108 = arith.constant 0 : i32
    %dma_wait3A_109 = tpu.memref_slice %arg4[%add3A, %dma_wait3A_102, %dma_wait3A_107, %dma_wait3A_108] : memref<32x42x3x80xi32, #tpu.memory_space<hbm>> -> memref<1x1x3x80xi32, #tpu.memory_space<hbm>>
    %dma_wait3A_110 = tpu.memref_squeeze %dma_wait3A_109 : memref<1x1x3x80xi32, #tpu.memory_space<hbm>> -> memref<3x80xi32, #tpu.memory_space<hbm>>
    tpu.wait_dma2 semaphore(%arg22 : memref<!tpu.dma_semaphore, #tpu.memory_space<semaphore_mem>>) src(%dma_wait3A_110 : memref<3x80xi32, #tpu.memory_space<hbm>>) dst(%arg10 : memref<3x80xi32, #tpu.memory_space<vmem>>)
    %dma_start3A_111 = arith.constant 0 : i32
    %dma_start3A_112 = tpu.memref_slice %arg8[%dma_start3A_111] : memref<240xi32, #tpu.memory_space<vmem>> -> memref<80xi32, #tpu.memory_space<vmem>>
    %dma_start3A_113 = arith.constant 0 : i32
    %dma_start3A_114 = arith.constant 0 : i32
    %dma_start3A_115 = tpu.memref_slice %arg2[%dma_start3A_113, %dma_start3A_114] : memref<10240x128xf32, #tpu.memory_space<hbm>> -> memref<10240x128xf32, #tpu.memory_space<hbm>>
    tpu.enqueue_indirect_dma source(%dma_start3A_115 : memref<10240x128xf32, #tpu.memory_space<hbm>>) target(%arg11 : memref<80x128xf32, #tpu.memory_space<vmem>>) offsets(%dma_start3A_112 : memref<80xi32, #tpu.memory_space<vmem>>) semaphore(%arg15 : memref<!tpu.dma_semaphore, #tpu.memory_space<semaphore_mem>>)
    %dma_wait3A_116 = arith.constant 160 : i32
    %dma_wait3A_117 = tpu.memref_slice %arg7[%dma_wait3A_116] : memref<240xi32, #tpu.memory_space<vmem>> -> memref<80xi32, #tpu.memory_space<vmem>>
    %dma_wait3A_118 = arith.constant 0 : i32
    %dma_wait3A_119 = arith.constant 0 : i32
    %dma_wait3A_120 = tpu.memref_slice %arg2[%dma_wait3A_118, %dma_wait3A_119] : memref<10240x128xf32, #tpu.memory_space<hbm>> -> memref<10240x128xf32, #tpu.memory_space<hbm>>
    tpu.wait_indirect_dma semaphore(%arg17 : memref<!tpu.dma_semaphore, #tpu.memory_space<semaphore_mem>>) src(%dma_wait3A_120 : memref<10240x128xf32, #tpu.memory_space<hbm>>) dst(%arg13 : memref<80x128xf32, #tpu.memory_space<vmem>>)
    %dma_start3A_121 = arith.constant 2 : i32
    %dma_start3A_122 = arith.constant 0 : i32
    %dma_start3A_123 = tpu.memref_slice %arg9[%dma_start3A_121, %dma_start3A_122] : memref<3x80xi32, #tpu.memory_space<vmem>> -> memref<1x80xi32, #tpu.memory_space<vmem>>
    %dma_start3A_124 = tpu.memref_squeeze %dma_start3A_123 : memref<1x80xi32, #tpu.memory_space<vmem>> -> memref<80xi32, #tpu.memory_space<vmem>>
    %dma_start3A_125 = arith.constant 0 : i32
    %dma_start3A_126 = arith.constant 0 : i32
    %dma_start3A_127 = tpu.memref_slice %arg14[%dma_start3A_125, %dma_start3A_126] : memref<10240x128xf32, #tpu.memory_space<vmem_shared>> -> memref<10240x128xf32, #tpu.memory_space<vmem_shared>>
    tpu.enqueue_indirect_dma source(%arg13 : memref<80x128xf32, #tpu.memory_space<vmem>>) target(%dma_start3A_127 : memref<10240x128xf32, #tpu.memory_space<vmem_shared>>) offsets(%dma_start3A_124 : memref<80xi32, #tpu.memory_space<vmem>>) semaphore(%arg20 : memref<!tpu.dma_semaphore, #tpu.memory_space<semaphore_mem>>) {add = true}
    %dma_wait3A_128 = arith.constant 0 : i32
    %dma_wait3A_129 = arith.constant 0 : i32
    %dma_wait3A_130 = tpu.memref_slice %arg9[%dma_wait3A_128, %dma_wait3A_129] : memref<3x80xi32, #tpu.memory_space<vmem>> -> memref<1x80xi32, #tpu.memory_space<vmem>>
    %dma_wait3A_131 = tpu.memref_squeeze %dma_wait3A_130 : memref<1x80xi32, #tpu.memory_space<vmem>> -> memref<80xi32, #tpu.memory_space<vmem>>
    %dma_wait3A_132 = arith.constant 0 : i32
    %dma_wait3A_133 = arith.constant 0 : i32
    %dma_wait3A_134 = tpu.memref_slice %arg14[%dma_wait3A_132, %dma_wait3A_133] : memref<10240x128xf32, #tpu.memory_space<vmem_shared>> -> memref<10240x128xf32, #tpu.memory_space<vmem_shared>>
    tpu.wait_indirect_dma semaphore(%arg19 : memref<!tpu.dma_semaphore, #tpu.memory_space<semaphore_mem>>) src(%arg12 : memref<80x128xf32, #tpu.memory_space<vmem>>) dst(%dma_wait3A_134 : memref<10240x128xf32, #tpu.memory_space<vmem_shared>>)
    %dma_start3A_135 = arith.constant 80 : i32
    %dma_start3A_136 = tpu.memref_slice %arg8[%dma_start3A_135] : memref<240xi32, #tpu.memory_space<vmem>> -> memref<80xi32, #tpu.memory_space<vmem>>
    %dma_start3A_137 = arith.constant 0 : i32
    %dma_start3A_138 = arith.constant 0 : i32
    %dma_start3A_139 = tpu.memref_slice %arg2[%dma_start3A_137, %dma_start3A_138] : memref<10240x128xf32, #tpu.memory_space<hbm>> -> memref<10240x128xf32, #tpu.memory_space<hbm>>
    tpu.enqueue_indirect_dma source(%dma_start3A_139 : memref<10240x128xf32, #tpu.memory_space<hbm>>) target(%arg12 : memref<80x128xf32, #tpu.memory_space<vmem>>) offsets(%dma_start3A_136 : memref<80xi32, #tpu.memory_space<vmem>>) semaphore(%arg16 : memref<!tpu.dma_semaphore, #tpu.memory_space<semaphore_mem>>)
    %scan3A = arith.constant 0 : i32
    %scan3A_140 = arith.constant 0 : i32
    %scan3A_141 = arith.constant 20 : i32
    %scan3A_142 = arith.addi %scan3A_140, %scan3A_141 : i32
    %scan3A_143 = arith.constant 1 : i32
    scf.for %scan3A_215 = %scan3A_140 to %scan3A_142 step %scan3A_143  : i32 {
      %mul3A_216 = arith.constant 2 : i32
      %mul3A_217 = arith.muli %mul3A_216, %scan3A_215 : i32
      %add3A_218 = arith.constant 1 : i32
      %add3A_219 = arith.addi %mul3A_217, %add3A_218 : i32
      %add3A_220 = arith.constant 1 : i32
      %add3A_221 = arith.addi %add3A_219, %add3A_220 : i32
      %mul3A_222 = arith.constant 10080 : i32
      %mul3A_223 = arith.muli %add3A, %mul3A_222 : i32
      %mul3A_224 = arith.constant 240 : i32
      %mul3A_225 = arith.muli %add3A_221, %mul3A_224 : i32
      %add3A_226 = arith.addi %mul3A_223, %mul3A_225 : i32
      %multiple_of3A_227 = tpu.assume_multiple %add3A_226, 8 : i32
      %dma_start3A_228 = tpu.memref_slice %arg3[%multiple_of3A_227] : memref<322560xi32, #tpu.memory_space<hbm>> -> memref<240xi32, #tpu.memory_space<hbm>>
      %dma_start3A_229 = tpu.memref_slice %arg3[%multiple_of3A_227] : memref<322560xi32, #tpu.memory_space<hbm>> -> memref<240xi32, #tpu.memory_space<hbm>>
      tpu.enqueue_dma source(%dma_start3A_229 : memref<240xi32, #tpu.memory_space<hbm>>) target(%arg7 : memref<240xi32, #tpu.memory_space<vmem>>) target_semaphore(%arg21 : memref<!tpu.dma_semaphore, #tpu.memory_space<semaphore_mem>>)
      %dma_start3A_230 = arith.constant 0 : i32
      %dma_start3A_231 = arith.constant 0 : i32
      %dma_start3A_232 = tpu.memref_slice %arg4[%add3A, %add3A_221, %dma_start3A_230, %dma_start3A_231] : memref<32x42x3x80xi32, #tpu.memory_space<hbm>> -> memref<1x1x3x80xi32, #tpu.memory_space<hbm>>
      %dma_start3A_233 = tpu.memref_squeeze %dma_start3A_232 : memref<1x1x3x80xi32, #tpu.memory_space<hbm>> -> memref<3x80xi32, #tpu.memory_space<hbm>>
      %dma_start3A_234 = arith.constant 0 : i32
      %dma_start3A_235 = arith.constant 0 : i32
      %dma_start3A_236 = tpu.memref_slice %arg4[%add3A, %add3A_221, %dma_start3A_234, %dma_start3A_235] : memref<32x42x3x80xi32, #tpu.memory_space<hbm>> -> memref<1x1x3x80xi32, #tpu.memory_space<hbm>>
      %dma_start3A_237 = tpu.memref_squeeze %dma_start3A_236 : memref<1x1x3x80xi32, #tpu.memory_space<hbm>> -> memref<3x80xi32, #tpu.memory_space<hbm>>
      tpu.enqueue_dma source(%dma_start3A_237 : memref<3x80xi32, #tpu.memory_space<hbm>>) target(%arg9 : memref<3x80xi32, #tpu.memory_space<vmem>>) target_semaphore(%arg21 : memref<!tpu.dma_semaphore, #tpu.memory_space<semaphore_mem>>)
      %dma_wait3A_238 = arith.constant 0 : i32
      %dma_wait3A_239 = tpu.memref_slice %arg8[%dma_wait3A_238] : memref<240xi32, #tpu.memory_space<vmem>> -> memref<80xi32, #tpu.memory_space<vmem>>
      %dma_wait3A_240 = arith.constant 0 : i32
      %dma_wait3A_241 = arith.constant 0 : i32
      %dma_wait3A_242 = tpu.memref_slice %arg2[%dma_wait3A_240, %dma_wait3A_241] : memref<10240x128xf32, #tpu.memory_space<hbm>> -> memref<10240x128xf32, #tpu.memory_space<hbm>>
      tpu.wait_indirect_dma semaphore(%arg15 : memref<!tpu.dma_semaphore, #tpu.memory_space<semaphore_mem>>) src(%dma_wait3A_242 : memref<10240x128xf32, #tpu.memory_space<hbm>>) dst(%arg11 : memref<80x128xf32, #tpu.memory_space<vmem>>)
      %dma_start3A_243 = arith.constant 0 : i32
      %dma_start3A_244 = arith.constant 0 : i32
      %dma_start3A_245 = tpu.memref_slice %arg10[%dma_start3A_243, %dma_start3A_244] : memref<3x80xi32, #tpu.memory_space<vmem>> -> memref<1x80xi32, #tpu.memory_space<vmem>>
      %dma_start3A_246 = tpu.memref_squeeze %dma_start3A_245 : memref<1x80xi32, #tpu.memory_space<vmem>> -> memref<80xi32, #tpu.memory_space<vmem>>
      %dma_start3A_247 = arith.constant 0 : i32
      %dma_start3A_248 = arith.constant 0 : i32
      %dma_start3A_249 = tpu.memref_slice %arg14[%dma_start3A_247, %dma_start3A_248] : memref<10240x128xf32, #tpu.memory_space<vmem_shared>> -> memref<10240x128xf32, #tpu.memory_space<vmem_shared>>
      tpu.enqueue_indirect_dma source(%arg11 : memref<80x128xf32, #tpu.memory_space<vmem>>) target(%dma_start3A_249 : memref<10240x128xf32, #tpu.memory_space<vmem_shared>>) offsets(%dma_start3A_246 : memref<80xi32, #tpu.memory_space<vmem>>) semaphore(%arg18 : memref<!tpu.dma_semaphore, #tpu.memory_space<semaphore_mem>>) {add = true}
      %dma_wait3A_250 = arith.constant 0 : i32
      %dma_wait3A_251 = arith.constant 0 : i32
      %dma_wait3A_252 = tpu.memref_slice %arg10[%dma_wait3A_250, %dma_wait3A_251] : memref<3x80xi32, #tpu.memory_space<vmem>> -> memref<1x80xi32, #tpu.memory_space<vmem>>
      %dma_wait3A_253 = tpu.memref_squeeze %dma_wait3A_252 : memref<1x80xi32, #tpu.memory_space<vmem>> -> memref<80xi32, #tpu.memory_space<vmem>>
      %dma_wait3A_254 = arith.constant 0 : i32
      %dma_wait3A_255 = arith.constant 0 : i32
      %dma_wait3A_256 = tpu.memref_slice %arg14[%dma_wait3A_254, %dma_wait3A_255] : memref<10240x128xf32, #tpu.memory_space<vmem_shared>> -> memref<10240x128xf32, #tpu.memory_space<vmem_shared>>
      tpu.wait_indirect_dma semaphore(%arg20 : memref<!tpu.dma_semaphore, #tpu.memory_space<semaphore_mem>>) src(%arg13 : memref<80x128xf32, #tpu.memory_space<vmem>>) dst(%dma_wait3A_256 : memref<10240x128xf32, #tpu.memory_space<vmem_shared>>)
      %dma_start3A_257 = arith.constant 160 : i32
      %dma_start3A_258 = tpu.memref_slice %arg8[%dma_start3A_257] : memref<240xi32, #tpu.memory_space<vmem>> -> memref<80xi32, #tpu.memory_space<vmem>>
      %dma_start3A_259 = arith.constant 0 : i32
      %dma_start3A_260 = arith.constant 0 : i32
      %dma_start3A_261 = tpu.memref_slice %arg2[%dma_start3A_259, %dma_start3A_260] : memref<10240x128xf32, #tpu.memory_space<hbm>> -> memref<10240x128xf32, #tpu.memory_space<hbm>>
      tpu.enqueue_indirect_dma source(%dma_start3A_261 : memref<10240x128xf32, #tpu.memory_space<hbm>>) target(%arg13 : memref<80x128xf32, #tpu.memory_space<vmem>>) offsets(%dma_start3A_258 : memref<80xi32, #tpu.memory_space<vmem>>) semaphore(%arg17 : memref<!tpu.dma_semaphore, #tpu.memory_space<semaphore_mem>>)
      %dma_wait3A_262 = arith.constant 80 : i32
      %dma_wait3A_263 = tpu.memref_slice %arg8[%dma_wait3A_262] : memref<240xi32, #tpu.memory_space<vmem>> -> memref<80xi32, #tpu.memory_space<vmem>>
      %dma_wait3A_264 = arith.constant 0 : i32
      %dma_wait3A_265 = arith.constant 0 : i32
      %dma_wait3A_266 = tpu.memref_slice %arg2[%dma_wait3A_264, %dma_wait3A_265] : memref<10240x128xf32, #tpu.memory_space<hbm>> -> memref<10240x128xf32, #tpu.memory_space<hbm>>
      tpu.wait_indirect_dma semaphore(%arg16 : memref<!tpu.dma_semaphore, #tpu.memory_space<semaphore_mem>>) src(%dma_wait3A_266 : memref<10240x128xf32, #tpu.memory_space<hbm>>) dst(%arg12 : memref<80x128xf32, #tpu.memory_space<vmem>>)
      %dma_start3A_267 = arith.constant 1 : i32
      %dma_start3A_268 = arith.constant 0 : i32
      %dma_start3A_269 = tpu.memref_slice %arg10[%dma_start3A_267, %dma_start3A_268] : memref<3x80xi32, #tpu.memory_space<vmem>> -> memref<1x80xi32, #tpu.memory_space<vmem>>
      %dma_start3A_270 = tpu.memref_squeeze %dma_start3A_269 : memref<1x80xi32, #tpu.memory_space<vmem>> -> memref<80xi32, #tpu.memory_space<vmem>>
      %dma_start3A_271 = arith.constant 0 : i32
      %dma_start3A_272 = arith.constant 0 : i32
      %dma_start3A_273 = tpu.memref_slice %arg14[%dma_start3A_271, %dma_start3A_272] : memref<10240x128xf32, #tpu.memory_space<vmem_shared>> -> memref<10240x128xf32, #tpu.memory_space<vmem_shared>>
      tpu.enqueue_indirect_dma source(%arg12 : memref<80x128xf32, #tpu.memory_space<vmem>>) target(%dma_start3A_273 : memref<10240x128xf32, #tpu.memory_space<vmem_shared>>) offsets(%dma_start3A_270 : memref<80xi32, #tpu.memory_space<vmem>>) semaphore(%arg19 : memref<!tpu.dma_semaphore, #tpu.memory_space<semaphore_mem>>) {add = true}
      %dma_wait3A_274 = arith.constant 0 : i32
      %dma_wait3A_275 = arith.constant 0 : i32
      %dma_wait3A_276 = tpu.memref_slice %arg10[%dma_wait3A_274, %dma_wait3A_275] : memref<3x80xi32, #tpu.memory_space<vmem>> -> memref<1x80xi32, #tpu.memory_space<vmem>>
      %dma_wait3A_277 = tpu.memref_squeeze %dma_wait3A_276 : memref<1x80xi32, #tpu.memory_space<vmem>> -> memref<80xi32, #tpu.memory_space<vmem>>
      %dma_wait3A_278 = arith.constant 0 : i32
      %dma_wait3A_279 = arith.constant 0 : i32
      %dma_wait3A_280 = tpu.memref_slice %arg14[%dma_wait3A_278, %dma_wait3A_279] : memref<10240x128xf32, #tpu.memory_space<vmem_shared>> -> memref<10240x128xf32, #tpu.memory_space<vmem_shared>>
      tpu.wait_indirect_dma semaphore(%arg18 : memref<!tpu.dma_semaphore, #tpu.memory_space<semaphore_mem>>) src(%arg11 : memref<80x128xf32, #tpu.memory_space<vmem>>) dst(%dma_wait3A_280 : memref<10240x128xf32, #tpu.memory_space<vmem_shared>>)
      %add3A_281 = arith.constant 1 : i32
      %add3A_282 = arith.addi %add3A_219, %add3A_281 : i32
      %mul3A_283 = arith.constant 10080 : i32
      %mul3A_284 = arith.muli %add3A, %mul3A_283 : i32
      %mul3A_285 = arith.constant 240 : i32
      %mul3A_286 = arith.muli %add3A_282, %mul3A_285 : i32
      %add3A_287 = arith.addi %mul3A_284, %mul3A_286 : i32
      %multiple_of3A_288 = tpu.assume_multiple %add3A_287, 8 : i32
      %dma_wait3A_289 = tpu.memref_slice %arg3[%multiple_of3A_288] : memref<322560xi32, #tpu.memory_space<hbm>> -> memref<240xi32, #tpu.memory_space<hbm>>
      %dma_wait3A_290 = tpu.memref_slice %arg3[%multiple_of3A_288] : memref<322560xi32, #tpu.memory_space<hbm>> -> memref<240xi32, #tpu.memory_space<hbm>>
      tpu.wait_dma2 semaphore(%arg21 : memref<!tpu.dma_semaphore, #tpu.memory_space<semaphore_mem>>) src(%dma_wait3A_290 : memref<240xi32, #tpu.memory_space<hbm>>) dst(%arg7 : memref<240xi32, #tpu.memory_space<vmem>>)
      %dma_wait3A_291 = arith.constant 0 : i32
      %dma_wait3A_292 = arith.constant 0 : i32
      %dma_wait3A_293 = tpu.memref_slice %arg4[%add3A, %add3A_282, %dma_wait3A_291, %dma_wait3A_292] : memref<32x42x3x80xi32, #tpu.memory_space<hbm>> -> memref<1x1x3x80xi32, #tpu.memory_space<hbm>>
      %dma_wait3A_294 = tpu.memref_squeeze %dma_wait3A_293 : memref<1x1x3x80xi32, #tpu.memory_space<hbm>> -> memref<3x80xi32, #tpu.memory_space<hbm>>
      %dma_wait3A_295 = arith.constant 0 : i32
      %dma_wait3A_296 = arith.constant 0 : i32
      %dma_wait3A_297 = tpu.memref_slice %arg4[%add3A, %add3A_282, %dma_wait3A_295, %dma_wait3A_296] : memref<32x42x3x80xi32, #tpu.memory_space<hbm>> -> memref<1x1x3x80xi32, #tpu.memory_space<hbm>>
      %dma_wait3A_298 = tpu.memref_squeeze %dma_wait3A_297 : memref<1x1x3x80xi32, #tpu.memory_space<hbm>> -> memref<3x80xi32, #tpu.memory_space<hbm>>
      tpu.wait_dma2 semaphore(%arg21 : memref<!tpu.dma_semaphore, #tpu.memory_space<semaphore_mem>>) src(%dma_wait3A_298 : memref<3x80xi32, #tpu.memory_space<hbm>>) dst(%arg9 : memref<3x80xi32, #tpu.memory_space<vmem>>)
      %dma_start3A_299 = arith.constant 0 : i32
      %dma_start3A_300 = tpu.memref_slice %arg7[%dma_start3A_299] : memref<240xi32, #tpu.memory_space<vmem>> -> memref<80xi32, #tpu.memory_space<vmem>>
      %dma_start3A_301 = arith.constant 0 : i32
      %dma_start3A_302 = arith.constant 0 : i32
      %dma_start3A_303 = tpu.memref_slice %arg2[%dma_start3A_301, %dma_start3A_302] : memref<10240x128xf32, #tpu.memory_space<hbm>> -> memref<10240x128xf32, #tpu.memory_space<hbm>>
      tpu.enqueue_indirect_dma source(%dma_start3A_303 : memref<10240x128xf32, #tpu.memory_space<hbm>>) target(%arg11 : memref<80x128xf32, #tpu.memory_space<vmem>>) offsets(%dma_start3A_300 : memref<80xi32, #tpu.memory_space<vmem>>) semaphore(%arg15 : memref<!tpu.dma_semaphore, #tpu.memory_space<semaphore_mem>>)
      %dma_wait3A_304 = arith.constant 160 : i32
      %dma_wait3A_305 = tpu.memref_slice %arg8[%dma_wait3A_304] : memref<240xi32, #tpu.memory_space<vmem>> -> memref<80xi32, #tpu.memory_space<vmem>>
      %dma_wait3A_306 = arith.constant 0 : i32
      %dma_wait3A_307 = arith.constant 0 : i32
      %dma_wait3A_308 = tpu.memref_slice %arg2[%dma_wait3A_306, %dma_wait3A_307] : memref<10240x128xf32, #tpu.memory_space<hbm>> -> memref<10240x128xf32, #tpu.memory_space<hbm>>
      tpu.wait_indirect_dma semaphore(%arg17 : memref<!tpu.dma_semaphore, #tpu.memory_space<semaphore_mem>>) src(%dma_wait3A_308 : memref<10240x128xf32, #tpu.memory_space<hbm>>) dst(%arg13 : memref<80x128xf32, #tpu.memory_space<vmem>>)
      %dma_start3A_309 = arith.constant 2 : i32
      %dma_start3A_310 = arith.constant 0 : i32
      %dma_start3A_311 = tpu.memref_slice %arg10[%dma_start3A_309, %dma_start3A_310] : memref<3x80xi32, #tpu.memory_space<vmem>> -> memref<1x80xi32, #tpu.memory_space<vmem>>
      %dma_start3A_312 = tpu.memref_squeeze %dma_start3A_311 : memref<1x80xi32, #tpu.memory_space<vmem>> -> memref<80xi32, #tpu.memory_space<vmem>>
      %dma_start3A_313 = arith.constant 0 : i32
      %dma_start3A_314 = arith.constant 0 : i32
      %dma_start3A_315 = tpu.memref_slice %arg14[%dma_start3A_313, %dma_start3A_314] : memref<10240x128xf32, #tpu.memory_space<vmem_shared>> -> memref<10240x128xf32, #tpu.memory_space<vmem_shared>>
      tpu.enqueue_indirect_dma source(%arg13 : memref<80x128xf32, #tpu.memory_space<vmem>>) target(%dma_start3A_315 : memref<10240x128xf32, #tpu.memory_space<vmem_shared>>) offsets(%dma_start3A_312 : memref<80xi32, #tpu.memory_space<vmem>>) semaphore(%arg20 : memref<!tpu.dma_semaphore, #tpu.memory_space<semaphore_mem>>) {add = true}
      %dma_wait3A_316 = arith.constant 0 : i32
      %dma_wait3A_317 = arith.constant 0 : i32
      %dma_wait3A_318 = tpu.memref_slice %arg10[%dma_wait3A_316, %dma_wait3A_317] : memref<3x80xi32, #tpu.memory_space<vmem>> -> memref<1x80xi32, #tpu.memory_space<vmem>>
      %dma_wait3A_319 = tpu.memref_squeeze %dma_wait3A_318 : memref<1x80xi32, #tpu.memory_space<vmem>> -> memref<80xi32, #tpu.memory_space<vmem>>
      %dma_wait3A_320 = arith.constant 0 : i32
      %dma_wait3A_321 = arith.constant 0 : i32
      %dma_wait3A_322 = tpu.memref_slice %arg14[%dma_wait3A_320, %dma_wait3A_321] : memref<10240x128xf32, #tpu.memory_space<vmem_shared>> -> memref<10240x128xf32, #tpu.memory_space<vmem_shared>>
      tpu.wait_indirect_dma semaphore(%arg19 : memref<!tpu.dma_semaphore, #tpu.memory_space<semaphore_mem>>) src(%arg12 : memref<80x128xf32, #tpu.memory_space<vmem>>) dst(%dma_wait3A_322 : memref<10240x128xf32, #tpu.memory_space<vmem_shared>>)
      %dma_start3A_323 = arith.constant 80 : i32
      %dma_start3A_324 = tpu.memref_slice %arg7[%dma_start3A_323] : memref<240xi32, #tpu.memory_space<vmem>> -> memref<80xi32, #tpu.memory_space<vmem>>
      %dma_start3A_325 = arith.constant 0 : i32
      %dma_start3A_326 = arith.constant 0 : i32
      %dma_start3A_327 = tpu.memref_slice %arg2[%dma_start3A_325, %dma_start3A_326] : memref<10240x128xf32, #tpu.memory_space<hbm>> -> memref<10240x128xf32, #tpu.memory_space<hbm>>
      tpu.enqueue_indirect_dma source(%dma_start3A_327 : memref<10240x128xf32, #tpu.memory_space<hbm>>) target(%arg12 : memref<80x128xf32, #tpu.memory_space<vmem>>) offsets(%dma_start3A_324 : memref<80xi32, #tpu.memory_space<vmem>>) semaphore(%arg16 : memref<!tpu.dma_semaphore, #tpu.memory_space<semaphore_mem>>)
      %mul3A_328 = arith.constant 2 : i32
      %mul3A_329 = arith.muli %mul3A_328, %scan3A_215 : i32
      %add3A_330 = arith.constant 2 : i32
      %add3A_331 = arith.addi %mul3A_329, %add3A_330 : i32
      %add3A_332 = arith.constant 1 : i32
      %add3A_333 = arith.addi %add3A_331, %add3A_332 : i32
      %mul3A_334 = arith.constant 10080 : i32
      %mul3A_335 = arith.muli %add3A, %mul3A_334 : i32
      %mul3A_336 = arith.constant 240 : i32
      %mul3A_337 = arith.muli %add3A_333, %mul3A_336 : i32
      %add3A_338 = arith.addi %mul3A_335, %mul3A_337 : i32
      %multiple_of3A_339 = tpu.assume_multiple %add3A_338, 8 : i32
      %dma_start3A_340 = tpu.memref_slice %arg3[%multiple_of3A_339] : memref<322560xi32, #tpu.memory_space<hbm>> -> memref<240xi32, #tpu.memory_space<hbm>>
      %dma_start3A_341 = tpu.memref_slice %arg3[%multiple_of3A_339] : memref<322560xi32, #tpu.memory_space<hbm>> -> memref<240xi32, #tpu.memory_space<hbm>>
      tpu.enqueue_dma source(%dma_start3A_341 : memref<240xi32, #tpu.memory_space<hbm>>) target(%arg8 : memref<240xi32, #tpu.memory_space<vmem>>) target_semaphore(%arg22 : memref<!tpu.dma_semaphore, #tpu.memory_space<semaphore_mem>>)
      %dma_start3A_342 = arith.constant 0 : i32
      %dma_start3A_343 = arith.constant 0 : i32
      %dma_start3A_344 = tpu.memref_slice %arg4[%add3A, %add3A_333, %dma_start3A_342, %dma_start3A_343] : memref<32x42x3x80xi32, #tpu.memory_space<hbm>> -> memref<1x1x3x80xi32, #tpu.memory_space<hbm>>
      %dma_start3A_345 = tpu.memref_squeeze %dma_start3A_344 : memref<1x1x3x80xi32, #tpu.memory_space<hbm>> -> memref<3x80xi32, #tpu.memory_space<hbm>>
      %dma_start3A_346 = arith.constant 0 : i32
      %dma_start3A_347 = arith.constant 0 : i32
      %dma_start3A_348 = tpu.memref_slice %arg4[%add3A, %add3A_333, %dma_start3A_346, %dma_start3A_347] : memref<32x42x3x80xi32, #tpu.memory_space<hbm>> -> memref<1x1x3x80xi32, #tpu.memory_space<hbm>>
      %dma_start3A_349 = tpu.memref_squeeze %dma_start3A_348 : memref<1x1x3x80xi32, #tpu.memory_space<hbm>> -> memref<3x80xi32, #tpu.memory_space<hbm>>
      tpu.enqueue_dma source(%dma_start3A_349 : memref<3x80xi32, #tpu.memory_space<hbm>>) target(%arg10 : memref<3x80xi32, #tpu.memory_space<vmem>>) target_semaphore(%arg22 : memref<!tpu.dma_semaphore, #tpu.memory_space<semaphore_mem>>)
      %dma_wait3A_350 = arith.constant 0 : i32
      %dma_wait3A_351 = tpu.memref_slice %arg7[%dma_wait3A_350] : memref<240xi32, #tpu.memory_space<vmem>> -> memref<80xi32, #tpu.memory_space<vmem>>
      %dma_wait3A_352 = arith.constant 0 : i32
      %dma_wait3A_353 = arith.constant 0 : i32
      %dma_wait3A_354 = tpu.memref_slice %arg2[%dma_wait3A_352, %dma_wait3A_353] : memref<10240x128xf32, #tpu.memory_space<hbm>> -> memref<10240x128xf32, #tpu.memory_space<hbm>>
      tpu.wait_indirect_dma semaphore(%arg15 : memref<!tpu.dma_semaphore, #tpu.memory_space<semaphore_mem>>) src(%dma_wait3A_354 : memref<10240x128xf32, #tpu.memory_space<hbm>>) dst(%arg11 : memref<80x128xf32, #tpu.memory_space<vmem>>)
      %dma_start3A_355 = arith.constant 0 : i32
      %dma_start3A_356 = arith.constant 0 : i32
      %dma_start3A_357 = tpu.memref_slice %arg9[%dma_start3A_355, %dma_start3A_356] : memref<3x80xi32, #tpu.memory_space<vmem>> -> memref<1x80xi32, #tpu.memory_space<vmem>>
      %dma_start3A_358 = tpu.memref_squeeze %dma_start3A_357 : memref<1x80xi32, #tpu.memory_space<vmem>> -> memref<80xi32, #tpu.memory_space<vmem>>
      %dma_start3A_359 = arith.constant 0 : i32
      %dma_start3A_360 = arith.constant 0 : i32
      %dma_start3A_361 = tpu.memref_slice %arg14[%dma_start3A_359, %dma_start3A_360] : memref<10240x128xf32, #tpu.memory_space<vmem_shared>> -> memref<10240x128xf32, #tpu.memory_space<vmem_shared>>
      tpu.enqueue_indirect_dma source(%arg11 : memref<80x128xf32, #tpu.memory_space<vmem>>) target(%dma_start3A_361 : memref<10240x128xf32, #tpu.memory_space<vmem_shared>>) offsets(%dma_start3A_358 : memref<80xi32, #tpu.memory_space<vmem>>) semaphore(%arg18 : memref<!tpu.dma_semaphore, #tpu.memory_space<semaphore_mem>>) {add = true}
      %dma_wait3A_362 = arith.constant 0 : i32
      %dma_wait3A_363 = arith.constant 0 : i32
      %dma_wait3A_364 = tpu.memref_slice %arg9[%dma_wait3A_362, %dma_wait3A_363] : memref<3x80xi32, #tpu.memory_space<vmem>> -> memref<1x80xi32, #tpu.memory_space<vmem>>
      %dma_wait3A_365 = tpu.memref_squeeze %dma_wait3A_364 : memref<1x80xi32, #tpu.memory_space<vmem>> -> memref<80xi32, #tpu.memory_space<vmem>>
      %dma_wait3A_366 = arith.constant 0 : i32
      %dma_wait3A_367 = arith.constant 0 : i32
      %dma_wait3A_368 = tpu.memref_slice %arg14[%dma_wait3A_366, %dma_wait3A_367] : memref<10240x128xf32, #tpu.memory_space<vmem_shared>> -> memref<10240x128xf32, #tpu.memory_space<vmem_shared>>
      tpu.wait_indirect_dma semaphore(%arg20 : memref<!tpu.dma_semaphore, #tpu.memory_space<semaphore_mem>>) src(%arg13 : memref<80x128xf32, #tpu.memory_space<vmem>>) dst(%dma_wait3A_368 : memref<10240x128xf32, #tpu.memory_space<vmem_shared>>)
      %dma_start3A_369 = arith.constant 160 : i32
      %dma_start3A_370 = tpu.memref_slice %arg7[%dma_start3A_369] : memref<240xi32, #tpu.memory_space<vmem>> -> memref<80xi32, #tpu.memory_space<vmem>>
      %dma_start3A_371 = arith.constant 0 : i32
      %dma_start3A_372 = arith.constant 0 : i32
      %dma_start3A_373 = tpu.memref_slice %arg2[%dma_start3A_371, %dma_start3A_372] : memref<10240x128xf32, #tpu.memory_space<hbm>> -> memref<10240x128xf32, #tpu.memory_space<hbm>>
      tpu.enqueue_indirect_dma source(%dma_start3A_373 : memref<10240x128xf32, #tpu.memory_space<hbm>>) target(%arg13 : memref<80x128xf32, #tpu.memory_space<vmem>>) offsets(%dma_start3A_370 : memref<80xi32, #tpu.memory_space<vmem>>) semaphore(%arg17 : memref<!tpu.dma_semaphore, #tpu.memory_space<semaphore_mem>>)
      %dma_wait3A_374 = arith.constant 80 : i32
      %dma_wait3A_375 = tpu.memref_slice %arg7[%dma_wait3A_374] : memref<240xi32, #tpu.memory_space<vmem>> -> memref<80xi32, #tpu.memory_space<vmem>>
      %dma_wait3A_376 = arith.constant 0 : i32
      %dma_wait3A_377 = arith.constant 0 : i32
      %dma_wait3A_378 = tpu.memref_slice %arg2[%dma_wait3A_376, %dma_wait3A_377] : memref<10240x128xf32, #tpu.memory_space<hbm>> -> memref<10240x128xf32, #tpu.memory_space<hbm>>
      tpu.wait_indirect_dma semaphore(%arg16 : memref<!tpu.dma_semaphore, #tpu.memory_space<semaphore_mem>>) src(%dma_wait3A_378 : memref<10240x128xf32, #tpu.memory_space<hbm>>) dst(%arg12 : memref<80x128xf32, #tpu.memory_space<vmem>>)
      %dma_start3A_379 = arith.constant 1 : i32
      %dma_start3A_380 = arith.constant 0 : i32
      %dma_start3A_381 = tpu.memref_slice %arg9[%dma_start3A_379, %dma_start3A_380] : memref<3x80xi32, #tpu.memory_space<vmem>> -> memref<1x80xi32, #tpu.memory_space<vmem>>
      %dma_start3A_382 = tpu.memref_squeeze %dma_start3A_381 : memref<1x80xi32, #tpu.memory_space<vmem>> -> memref<80xi32, #tpu.memory_space<vmem>>
      %dma_start3A_383 = arith.constant 0 : i32
      %dma_start3A_384 = arith.constant 0 : i32
      %dma_start3A_385 = tpu.memref_slice %arg14[%dma_start3A_383, %dma_start3A_384] : memref<10240x128xf32, #tpu.memory_space<vmem_shared>> -> memref<10240x128xf32, #tpu.memory_space<vmem_shared>>
      tpu.enqueue_indirect_dma source(%arg12 : memref<80x128xf32, #tpu.memory_space<vmem>>) target(%dma_start3A_385 : memref<10240x128xf32, #tpu.memory_space<vmem_shared>>) offsets(%dma_start3A_382 : memref<80xi32, #tpu.memory_space<vmem>>) semaphore(%arg19 : memref<!tpu.dma_semaphore, #tpu.memory_space<semaphore_mem>>) {add = true}
      %dma_wait3A_386 = arith.constant 0 : i32
      %dma_wait3A_387 = arith.constant 0 : i32
      %dma_wait3A_388 = tpu.memref_slice %arg9[%dma_wait3A_386, %dma_wait3A_387] : memref<3x80xi32, #tpu.memory_space<vmem>> -> memref<1x80xi32, #tpu.memory_space<vmem>>
      %dma_wait3A_389 = tpu.memref_squeeze %dma_wait3A_388 : memref<1x80xi32, #tpu.memory_space<vmem>> -> memref<80xi32, #tpu.memory_space<vmem>>
      %dma_wait3A_390 = arith.constant 0 : i32
      %dma_wait3A_391 = arith.constant 0 : i32
      %dma_wait3A_392 = tpu.memref_slice %arg14[%dma_wait3A_390, %dma_wait3A_391] : memref<10240x128xf32, #tpu.memory_space<vmem_shared>> -> memref<10240x128xf32, #tpu.memory_space<vmem_shared>>
      tpu.wait_indirect_dma semaphore(%arg18 : memref<!tpu.dma_semaphore, #tpu.memory_space<semaphore_mem>>) src(%arg11 : memref<80x128xf32, #tpu.memory_space<vmem>>) dst(%dma_wait3A_392 : memref<10240x128xf32, #tpu.memory_space<vmem_shared>>)
      %add3A_393 = arith.constant 1 : i32
      %add3A_394 = arith.addi %add3A_331, %add3A_393 : i32
      %mul3A_395 = arith.constant 10080 : i32
      %mul3A_396 = arith.muli %add3A, %mul3A_395 : i32
      %mul3A_397 = arith.constant 240 : i32
      %mul3A_398 = arith.muli %add3A_394, %mul3A_397 : i32
      %add3A_399 = arith.addi %mul3A_396, %mul3A_398 : i32
      %multiple_of3A_400 = tpu.assume_multiple %add3A_399, 8 : i32
      %dma_wait3A_401 = tpu.memref_slice %arg3[%multiple_of3A_400] : memref<322560xi32, #tpu.memory_space<hbm>> -> memref<240xi32, #tpu.memory_space<hbm>>
      %dma_wait3A_402 = tpu.memref_slice %arg3[%multiple_of3A_400] : memref<322560xi32, #tpu.memory_space<hbm>> -> memref<240xi32, #tpu.memory_space<hbm>>
      tpu.wait_dma2 semaphore(%arg22 : memref<!tpu.dma_semaphore, #tpu.memory_space<semaphore_mem>>) src(%dma_wait3A_402 : memref<240xi32, #tpu.memory_space<hbm>>) dst(%arg8 : memref<240xi32, #tpu.memory_space<vmem>>)
      %dma_wait3A_403 = arith.constant 0 : i32
      %dma_wait3A_404 = arith.constant 0 : i32
      %dma_wait3A_405 = tpu.memref_slice %arg4[%add3A, %add3A_394, %dma_wait3A_403, %dma_wait3A_404] : memref<32x42x3x80xi32, #tpu.memory_space<hbm>> -> memref<1x1x3x80xi32, #tpu.memory_space<hbm>>
      %dma_wait3A_406 = tpu.memref_squeeze %dma_wait3A_405 : memref<1x1x3x80xi32, #tpu.memory_space<hbm>> -> memref<3x80xi32, #tpu.memory_space<hbm>>
      %dma_wait3A_407 = arith.constant 0 : i32
      %dma_wait3A_408 = arith.constant 0 : i32
      %dma_wait3A_409 = tpu.memref_slice %arg4[%add3A, %add3A_394, %dma_wait3A_407, %dma_wait3A_408] : memref<32x42x3x80xi32, #tpu.memory_space<hbm>> -> memref<1x1x3x80xi32, #tpu.memory_space<hbm>>
      %dma_wait3A_410 = tpu.memref_squeeze %dma_wait3A_409 : memref<1x1x3x80xi32, #tpu.memory_space<hbm>> -> memref<3x80xi32, #tpu.memory_space<hbm>>
      tpu.wait_dma2 semaphore(%arg22 : memref<!tpu.dma_semaphore, #tpu.memory_space<semaphore_mem>>) src(%dma_wait3A_410 : memref<3x80xi32, #tpu.memory_space<hbm>>) dst(%arg10 : memref<3x80xi32, #tpu.memory_space<vmem>>)
      %dma_start3A_411 = arith.constant 0 : i32
      %dma_start3A_412 = tpu.memref_slice %arg8[%dma_start3A_411] : memref<240xi32, #tpu.memory_space<vmem>> -> memref<80xi32, #tpu.memory_space<vmem>>
      %dma_start3A_413 = arith.constant 0 : i32
      %dma_start3A_414 = arith.constant 0 : i32
      %dma_start3A_415 = tpu.memref_slice %arg2[%dma_start3A_413, %dma_start3A_414] : memref<10240x128xf32, #tpu.memory_space<hbm>> -> memref<10240x128xf32, #tpu.memory_space<hbm>>
      tpu.enqueue_indirect_dma source(%dma_start3A_415 : memref<10240x128xf32, #tpu.memory_space<hbm>>) target(%arg11 : memref<80x128xf32, #tpu.memory_space<vmem>>) offsets(%dma_start3A_412 : memref<80xi32, #tpu.memory_space<vmem>>) semaphore(%arg15 : memref<!tpu.dma_semaphore, #tpu.memory_space<semaphore_mem>>)
      %dma_wait3A_416 = arith.constant 160 : i32
      %dma_wait3A_417 = tpu.memref_slice %arg7[%dma_wait3A_416] : memref<240xi32, #tpu.memory_space<vmem>> -> memref<80xi32, #tpu.memory_space<vmem>>
      %dma_wait3A_418 = arith.constant 0 : i32
      %dma_wait3A_419 = arith.constant 0 : i32
      %dma_wait3A_420 = tpu.memref_slice %arg2[%dma_wait3A_418, %dma_wait3A_419] : memref<10240x128xf32, #tpu.memory_space<hbm>> -> memref<10240x128xf32, #tpu.memory_space<hbm>>
      tpu.wait_indirect_dma semaphore(%arg17 : memref<!tpu.dma_semaphore, #tpu.memory_space<semaphore_mem>>) src(%dma_wait3A_420 : memref<10240x128xf32, #tpu.memory_space<hbm>>) dst(%arg13 : memref<80x128xf32, #tpu.memory_space<vmem>>)
      %dma_start3A_421 = arith.constant 2 : i32
      %dma_start3A_422 = arith.constant 0 : i32
      %dma_start3A_423 = tpu.memref_slice %arg9[%dma_start3A_421, %dma_start3A_422] : memref<3x80xi32, #tpu.memory_space<vmem>> -> memref<1x80xi32, #tpu.memory_space<vmem>>
      %dma_start3A_424 = tpu.memref_squeeze %dma_start3A_423 : memref<1x80xi32, #tpu.memory_space<vmem>> -> memref<80xi32, #tpu.memory_space<vmem>>
      %dma_start3A_425 = arith.constant 0 : i32
      %dma_start3A_426 = arith.constant 0 : i32
      %dma_start3A_427 = tpu.memref_slice %arg14[%dma_start3A_425, %dma_start3A_426] : memref<10240x128xf32, #tpu.memory_space<vmem_shared>> -> memref<10240x128xf32, #tpu.memory_space<vmem_shared>>
      tpu.enqueue_indirect_dma source(%arg13 : memref<80x128xf32, #tpu.memory_space<vmem>>) target(%dma_start3A_427 : memref<10240x128xf32, #tpu.memory_space<vmem_shared>>) offsets(%dma_start3A_424 : memref<80xi32, #tpu.memory_space<vmem>>) semaphore(%arg20 : memref<!tpu.dma_semaphore, #tpu.memory_space<semaphore_mem>>) {add = true}
      %dma_wait3A_428 = arith.constant 0 : i32
      %dma_wait3A_429 = arith.constant 0 : i32
      %dma_wait3A_430 = tpu.memref_slice %arg9[%dma_wait3A_428, %dma_wait3A_429] : memref<3x80xi32, #tpu.memory_space<vmem>> -> memref<1x80xi32, #tpu.memory_space<vmem>>
      %dma_wait3A_431 = tpu.memref_squeeze %dma_wait3A_430 : memref<1x80xi32, #tpu.memory_space<vmem>> -> memref<80xi32, #tpu.memory_space<vmem>>
      %dma_wait3A_432 = arith.constant 0 : i32
      %dma_wait3A_433 = arith.constant 0 : i32
      %dma_wait3A_434 = tpu.memref_slice %arg14[%dma_wait3A_432, %dma_wait3A_433] : memref<10240x128xf32, #tpu.memory_space<vmem_shared>> -> memref<10240x128xf32, #tpu.memory_space<vmem_shared>>
      tpu.wait_indirect_dma semaphore(%arg19 : memref<!tpu.dma_semaphore, #tpu.memory_space<semaphore_mem>>) src(%arg12 : memref<80x128xf32, #tpu.memory_space<vmem>>) dst(%dma_wait3A_434 : memref<10240x128xf32, #tpu.memory_space<vmem_shared>>)
      %dma_start3A_435 = arith.constant 80 : i32
      %dma_start3A_436 = tpu.memref_slice %arg8[%dma_start3A_435] : memref<240xi32, #tpu.memory_space<vmem>> -> memref<80xi32, #tpu.memory_space<vmem>>
      %dma_start3A_437 = arith.constant 0 : i32
      %dma_start3A_438 = arith.constant 0 : i32
      %dma_start3A_439 = tpu.memref_slice %arg2[%dma_start3A_437, %dma_start3A_438] : memref<10240x128xf32, #tpu.memory_space<hbm>> -> memref<10240x128xf32, #tpu.memory_space<hbm>>
      tpu.enqueue_indirect_dma source(%dma_start3A_439 : memref<10240x128xf32, #tpu.memory_space<hbm>>) target(%arg12 : memref<80x128xf32, #tpu.memory_space<vmem>>) offsets(%dma_start3A_436 : memref<80xi32, #tpu.memory_space<vmem>>) semaphore(%arg16 : memref<!tpu.dma_semaphore, #tpu.memory_space<semaphore_mem>>)
    }
    %scan3A_144 = arith.constant 20 : i32
    %dma_wait3A_145 = arith.constant 0 : i32
    %dma_wait3A_146 = tpu.memref_slice %arg8[%dma_wait3A_145] : memref<240xi32, #tpu.memory_space<vmem>> -> memref<80xi32, #tpu.memory_space<vmem>>
    %dma_wait3A_147 = arith.constant 0 : i32
    %dma_wait3A_148 = arith.constant 0 : i32
    %dma_wait3A_149 = tpu.memref_slice %arg2[%dma_wait3A_147, %dma_wait3A_148] : memref<10240x128xf32, #tpu.memory_space<hbm>> -> memref<10240x128xf32, #tpu.memory_space<hbm>>
    tpu.wait_indirect_dma semaphore(%arg15 : memref<!tpu.dma_semaphore, #tpu.memory_space<semaphore_mem>>) src(%dma_wait3A_149 : memref<10240x128xf32, #tpu.memory_space<hbm>>) dst(%arg11 : memref<80x128xf32, #tpu.memory_space<vmem>>)
    %dma_start3A_150 = arith.constant 0 : i32
    %dma_start3A_151 = arith.constant 0 : i32
    %dma_start3A_152 = tpu.memref_slice %arg10[%dma_start3A_150, %dma_start3A_151] : memref<3x80xi32, #tpu.memory_space<vmem>> -> memref<1x80xi32, #tpu.memory_space<vmem>>
    %dma_start3A_153 = tpu.memref_squeeze %dma_start3A_152 : memref<1x80xi32, #tpu.memory_space<vmem>> -> memref<80xi32, #tpu.memory_space<vmem>>
    %dma_start3A_154 = arith.constant 0 : i32
    %dma_start3A_155 = arith.constant 0 : i32
    %dma_start3A_156 = tpu.memref_slice %arg14[%dma_start3A_154, %dma_start3A_155] : memref<10240x128xf32, #tpu.memory_space<vmem_shared>> -> memref<10240x128xf32, #tpu.memory_space<vmem_shared>>
    tpu.enqueue_indirect_dma source(%arg11 : memref<80x128xf32, #tpu.memory_space<vmem>>) target(%dma_start3A_156 : memref<10240x128xf32, #tpu.memory_space<vmem_shared>>) offsets(%dma_start3A_153 : memref<80xi32, #tpu.memory_space<vmem>>) semaphore(%arg18 : memref<!tpu.dma_semaphore, #tpu.memory_space<semaphore_mem>>) {add = true}
    %dma_wait3A_157 = arith.constant 0 : i32
    %dma_wait3A_158 = arith.constant 0 : i32
    %dma_wait3A_159 = tpu.memref_slice %arg10[%dma_wait3A_157, %dma_wait3A_158] : memref<3x80xi32, #tpu.memory_space<vmem>> -> memref<1x80xi32, #tpu.memory_space<vmem>>
    %dma_wait3A_160 = tpu.memref_squeeze %dma_wait3A_159 : memref<1x80xi32, #tpu.memory_space<vmem>> -> memref<80xi32, #tpu.memory_space<vmem>>
    %dma_wait3A_161 = arith.constant 0 : i32
    %dma_wait3A_162 = arith.constant 0 : i32
    %dma_wait3A_163 = tpu.memref_slice %arg14[%dma_wait3A_161, %dma_wait3A_162] : memref<10240x128xf32, #tpu.memory_space<vmem_shared>> -> memref<10240x128xf32, #tpu.memory_space<vmem_shared>>
    tpu.wait_indirect_dma semaphore(%arg20 : memref<!tpu.dma_semaphore, #tpu.memory_space<semaphore_mem>>) src(%arg13 : memref<80x128xf32, #tpu.memory_space<vmem>>) dst(%dma_wait3A_163 : memref<10240x128xf32, #tpu.memory_space<vmem_shared>>)
    %dma_start3A_164 = arith.constant 160 : i32
    %dma_start3A_165 = tpu.memref_slice %arg8[%dma_start3A_164] : memref<240xi32, #tpu.memory_space<vmem>> -> memref<80xi32, #tpu.memory_space<vmem>>
    %dma_start3A_166 = arith.constant 0 : i32
    %dma_start3A_167 = arith.constant 0 : i32
    %dma_start3A_168 = tpu.memref_slice %arg2[%dma_start3A_166, %dma_start3A_167] : memref<10240x128xf32, #tpu.memory_space<hbm>> -> memref<10240x128xf32, #tpu.memory_space<hbm>>
    tpu.enqueue_indirect_dma source(%dma_start3A_168 : memref<10240x128xf32, #tpu.memory_space<hbm>>) target(%arg13 : memref<80x128xf32, #tpu.memory_space<vmem>>) offsets(%dma_start3A_165 : memref<80xi32, #tpu.memory_space<vmem>>) semaphore(%arg17 : memref<!tpu.dma_semaphore, #tpu.memory_space<semaphore_mem>>)
    %dma_wait3A_169 = arith.constant 80 : i32
    %dma_wait3A_170 = tpu.memref_slice %arg8[%dma_wait3A_169] : memref<240xi32, #tpu.memory_space<vmem>> -> memref<80xi32, #tpu.memory_space<vmem>>
    %dma_wait3A_171 = arith.constant 0 : i32
    %dma_wait3A_172 = arith.constant 0 : i32
    %dma_wait3A_173 = tpu.memref_slice %arg2[%dma_wait3A_171, %dma_wait3A_172] : memref<10240x128xf32, #tpu.memory_space<hbm>> -> memref<10240x128xf32, #tpu.memory_space<hbm>>
    tpu.wait_indirect_dma semaphore(%arg16 : memref<!tpu.dma_semaphore, #tpu.memory_space<semaphore_mem>>) src(%dma_wait3A_173 : memref<10240x128xf32, #tpu.memory_space<hbm>>) dst(%arg12 : memref<80x128xf32, #tpu.memory_space<vmem>>)
    %dma_start3A_174 = arith.constant 1 : i32
    %dma_start3A_175 = arith.constant 0 : i32
    %dma_start3A_176 = tpu.memref_slice %arg10[%dma_start3A_174, %dma_start3A_175] : memref<3x80xi32, #tpu.memory_space<vmem>> -> memref<1x80xi32, #tpu.memory_space<vmem>>
    %dma_start3A_177 = tpu.memref_squeeze %dma_start3A_176 : memref<1x80xi32, #tpu.memory_space<vmem>> -> memref<80xi32, #tpu.memory_space<vmem>>
    %dma_start3A_178 = arith.constant 0 : i32
    %dma_start3A_179 = arith.constant 0 : i32
    %dma_start3A_180 = tpu.memref_slice %arg14[%dma_start3A_178, %dma_start3A_179] : memref<10240x128xf32, #tpu.memory_space<vmem_shared>> -> memref<10240x128xf32, #tpu.memory_space<vmem_shared>>
    tpu.enqueue_indirect_dma source(%arg12 : memref<80x128xf32, #tpu.memory_space<vmem>>) target(%dma_start3A_180 : memref<10240x128xf32, #tpu.memory_space<vmem_shared>>) offsets(%dma_start3A_177 : memref<80xi32, #tpu.memory_space<vmem>>) semaphore(%arg19 : memref<!tpu.dma_semaphore, #tpu.memory_space<semaphore_mem>>) {add = true}
    %dma_wait3A_181 = arith.constant 0 : i32
    %dma_wait3A_182 = arith.constant 0 : i32
    %dma_wait3A_183 = tpu.memref_slice %arg10[%dma_wait3A_181, %dma_wait3A_182] : memref<3x80xi32, #tpu.memory_space<vmem>> -> memref<1x80xi32, #tpu.memory_space<vmem>>
    %dma_wait3A_184 = tpu.memref_squeeze %dma_wait3A_183 : memref<1x80xi32, #tpu.memory_space<vmem>> -> memref<80xi32, #tpu.memory_space<vmem>>
    %dma_wait3A_185 = arith.constant 0 : i32
    %dma_wait3A_186 = arith.constant 0 : i32
    %dma_wait3A_187 = tpu.memref_slice %arg14[%dma_wait3A_185, %dma_wait3A_186] : memref<10240x128xf32, #tpu.memory_space<vmem_shared>> -> memref<10240x128xf32, #tpu.memory_space<vmem_shared>>
    tpu.wait_indirect_dma semaphore(%arg18 : memref<!tpu.dma_semaphore, #tpu.memory_space<semaphore_mem>>) src(%arg11 : memref<80x128xf32, #tpu.memory_space<vmem>>) dst(%dma_wait3A_187 : memref<10240x128xf32, #tpu.memory_space<vmem_shared>>)
    %dma_wait3A_188 = arith.constant 160 : i32
    %dma_wait3A_189 = tpu.memref_slice %arg8[%dma_wait3A_188] : memref<240xi32, #tpu.memory_space<vmem>> -> memref<80xi32, #tpu.memory_space<vmem>>
    %dma_wait3A_190 = arith.constant 0 : i32
    %dma_wait3A_191 = arith.constant 0 : i32
    %dma_wait3A_192 = tpu.memref_slice %arg2[%dma_wait3A_190, %dma_wait3A_191] : memref<10240x128xf32, #tpu.memory_space<hbm>> -> memref<10240x128xf32, #tpu.memory_space<hbm>>
    tpu.wait_indirect_dma semaphore(%arg17 : memref<!tpu.dma_semaphore, #tpu.memory_space<semaphore_mem>>) src(%dma_wait3A_192 : memref<10240x128xf32, #tpu.memory_space<hbm>>) dst(%arg13 : memref<80x128xf32, #tpu.memory_space<vmem>>)
    %dma_start3A_193 = arith.constant 2 : i32
    %dma_start3A_194 = arith.constant 0 : i32
    %dma_start3A_195 = tpu.memref_slice %arg10[%dma_start3A_193, %dma_start3A_194] : memref<3x80xi32, #tpu.memory_space<vmem>> -> memref<1x80xi32, #tpu.memory_space<vmem>>
    %dma_start3A_196 = tpu.memref_squeeze %dma_start3A_195 : memref<1x80xi32, #tpu.memory_space<vmem>> -> memref<80xi32, #tpu.memory_space<vmem>>
    %dma_start3A_197 = arith.constant 0 : i32
    %dma_start3A_198 = arith.constant 0 : i32
    %dma_start3A_199 = tpu.memref_slice %arg14[%dma_start3A_197, %dma_start3A_198] : memref<10240x128xf32, #tpu.memory_space<vmem_shared>> -> memref<10240x128xf32, #tpu.memory_space<vmem_shared>>
    tpu.enqueue_indirect_dma source(%arg13 : memref<80x128xf32, #tpu.memory_space<vmem>>) target(%dma_start3A_199 : memref<10240x128xf32, #tpu.memory_space<vmem_shared>>) offsets(%dma_start3A_196 : memref<80xi32, #tpu.memory_space<vmem>>) semaphore(%arg20 : memref<!tpu.dma_semaphore, #tpu.memory_space<semaphore_mem>>) {add = true}
    %dma_wait3A_200 = arith.constant 0 : i32
    %dma_wait3A_201 = arith.constant 0 : i32
    %dma_wait3A_202 = tpu.memref_slice %arg10[%dma_wait3A_200, %dma_wait3A_201] : memref<3x80xi32, #tpu.memory_space<vmem>> -> memref<1x80xi32, #tpu.memory_space<vmem>>
    %dma_wait3A_203 = tpu.memref_squeeze %dma_wait3A_202 : memref<1x80xi32, #tpu.memory_space<vmem>> -> memref<80xi32, #tpu.memory_space<vmem>>
    %dma_wait3A_204 = arith.constant 0 : i32
    %dma_wait3A_205 = arith.constant 0 : i32
    %dma_wait3A_206 = tpu.memref_slice %arg14[%dma_wait3A_204, %dma_wait3A_205] : memref<10240x128xf32, #tpu.memory_space<vmem_shared>> -> memref<10240x128xf32, #tpu.memory_space<vmem_shared>>
    tpu.wait_indirect_dma semaphore(%arg19 : memref<!tpu.dma_semaphore, #tpu.memory_space<semaphore_mem>>) src(%arg12 : memref<80x128xf32, #tpu.memory_space<vmem>>) dst(%dma_wait3A_206 : memref<10240x128xf32, #tpu.memory_space<vmem_shared>>)
    %dma_wait3A_207 = arith.constant 0 : i32
    %dma_wait3A_208 = arith.constant 0 : i32
    %dma_wait3A_209 = tpu.memref_slice %arg9[%dma_wait3A_207, %dma_wait3A_208] : memref<3x80xi32, #tpu.memory_space<vmem>> -> memref<1x80xi32, #tpu.memory_space<vmem>>
    %dma_wait3A_210 = tpu.memref_squeeze %dma_wait3A_209 : memref<1x80xi32, #tpu.memory_space<vmem>> -> memref<80xi32, #tpu.memory_space<vmem>>
    %dma_wait3A_211 = arith.constant 0 : i32
    %dma_wait3A_212 = arith.constant 0 : i32
    %dma_wait3A_213 = tpu.memref_slice %arg14[%dma_wait3A_211, %dma_wait3A_212] : memref<10240x128xf32, #tpu.memory_space<vmem_shared>> -> memref<10240x128xf32, #tpu.memory_space<vmem_shared>>
    tpu.wait_indirect_dma semaphore(%arg20 : memref<!tpu.dma_semaphore, #tpu.memory_space<semaphore_mem>>) src(%arg13 : memref<80x128xf32, #tpu.memory_space<vmem>>) dst(%dma_wait3A_213 : memref<10240x128xf32, #tpu.memory_space<vmem_shared>>)
    %barrier3A_214 = arith.constant 0 : index
    tpu.barrier barrier_id(%barrier3A_214)
    "tpu.region"() ({
      %run_scoped3A = tpu.sem_alloc : memref<!tpu.dma_semaphore, #tpu.memory_space<semaphore_mem>>
      %dma_start3A_215 = arith.constant 0 : i32
      %dma_start3A_216 = tpu.memref_slice %arg6[%arg0, %multiple_of3A, %dma_start3A_215] : memref<2x10240x128xf32, #tpu.memory_space<hbm>> -> memref<1x640x128xf32, #tpu.memory_space<hbm>>
      %dma_start3A_217 = tpu.memref_squeeze %dma_start3A_216 : memref<1x640x128xf32, #tpu.memory_space<hbm>> -> memref<640x128xf32, #tpu.memory_space<hbm>>
      %dma_start3A_218 = arith.constant 0 : i32
      %dma_start3A_219 = tpu.memref_slice %arg14[%multiple_of3A, %dma_start3A_218] : memref<10240x128xf32, #tpu.memory_space<vmem_shared>> -> memref<640x128xf32, #tpu.memory_space<vmem_shared>>
      tpu.enqueue_dma source(%dma_start3A_219 : memref<640x128xf32, #tpu.memory_space<vmem_shared>>) target(%dma_start3A_217 : memref<640x128xf32, #tpu.memory_space<hbm>>) target_semaphore(%run_scoped3A : memref<!tpu.dma_semaphore, #tpu.memory_space<semaphore_mem>>)
      %dma_wait3A_220 = arith.constant 0 : i32
      %dma_wait3A_221 = tpu.memref_slice %arg6[%arg0, %multiple_of3A, %dma_wait3A_220] : memref<2x10240x128xf32, #tpu.memory_space<hbm>> -> memref<1x640x128xf32, #tpu.memory_space<hbm>>
      %dma_wait3A_222 = tpu.memref_squeeze %dma_wait3A_221 : memref<1x640x128xf32, #tpu.memory_space<hbm>> -> memref<640x128xf32, #tpu.memory_space<hbm>>
      %dma_wait3A_223 = arith.constant 0 : i32
      %dma_wait3A_224 = tpu.memref_slice %arg14[%multiple_of3A, %dma_wait3A_223] : memref<10240x128xf32, #tpu.memory_space<vmem_shared>> -> memref<640x128xf32, #tpu.memory_space<vmem_shared>>
      tpu.wait_dma2 semaphore(%run_scoped3A : memref<!tpu.dma_semaphore, #tpu.memory_space<semaphore_mem>>) src(%dma_wait3A_224 : memref<640x128xf32, #tpu.memory_space<vmem_shared>>) dst(%dma_wait3A_222 : memref<640x128xf32, #tpu.memory_space<hbm>>)
      tpu.yield
    }) : () -> ()
    return
  }
}

module attributes {stable_mosaic.version = 14 : i64} {
  func.func @_gscale_body(%arg0: i32, %arg1: memref<2x1024xf32, #tpu.memory_space<vmem>>, %arg2: memref<1024x128xf32, #tpu.memory_space<vmem>>, %arg3: memref<128x128xf32, #tpu.memory_space<vmem>>, %arg4: memref<1024x128xf32, #tpu.memory_space<vmem>>) attributes {dimension_semantics = [#tpu.dimension_semantics<arbitrary>], iteration_bounds = array<i64: 10>, scalar_prefetch = 0 : i64, scratch_operands = 0 : i64, tpu.core_type = #tpu.core_type<tc>, window_params = [{transform_indices = @transform_0, window_bounds = array<i64: 2, 1024>}, {transform_indices = @transform_1, window_bounds = array<i64: 1024, 128>}, {pipeline_mode = #tpu.pipeline_mode<synchronous>, transform_indices = @transform_2, window_bounds = array<i64: 128, 128>}, {transform_indices = @transform_3, window_bounds = array<i64: 1024, 128>}]} {
    %get3A = arith.constant 0 : index
    %get3A_0 = arith.constant 0 : index
    %get3A_1 = vector.load %arg1[%get3A, %get3A_0] : memref<2x1024xf32, #tpu.memory_space<vmem>>, vector<1x1024xf32>
    %get3A_2 = vector.shape_cast %get3A_1 : vector<1x1024xf32> to vector<1024xf32>
    %get3A_3 = arith.constant 1 : index
    %get3A_4 = arith.constant 0 : index
    %get3A_5 = vector.load %arg1[%get3A_3, %get3A_4] : memref<2x1024xf32, #tpu.memory_space<vmem>>, vector<1x1024xf32>
    %get3A_6 = vector.shape_cast %get3A_5 : vector<1x1024xf32> to vector<1024xf32>
    %add3A = arith.addf %get3A_2, %get3A_6 : vector<1024xf32>
    %add3A_7 = arith.constant 1.000000e+00 : f32
    %add3A_8 = vector.broadcast %add3A_7 : f32 to vector<1024xf32>
    %add3A_9 = arith.addf %add3A, %add3A_8 : vector<1024xf32>
    %rsqrt3A = math.rsqrt %add3A_9 : vector<1024xf32>
    %get3A_10 = arith.constant 0 : index
    %get3A_11 = arith.constant 0 : index
    %get3A_12 = vector.load %arg2[%get3A_10, %get3A_11] : memref<1024x128xf32, #tpu.memory_space<vmem>>, vector<1024x128xf32>
    %get3A_13 = arith.constant 0 : index
    %get3A_14 = arith.constant 0 : index
    %get3A_15 = vector.load %arg3[%get3A_13, %get3A_14] : memref<128x128xf32, #tpu.memory_space<vmem>>, vector<128x128xf32>
    %dot_general3A = arith.constant dense<0.000000e+00> : vector<1024x128xf32>
    %dot_general3A_16 = tpu.matmul %get3A_12, %get3A_15, %dot_general3A {dimension_numbers = #tpu.dot_dimension_numbers<[1], [0], [0], [1], [0, 0, 1, 1], [], []>, transpose_lhs_hint = false} : vector<1024x128xf32>, vector<128x128xf32>, vector<1024x128xf32> -> vector<1024x128xf32>
    %broadcast_in_dim3A = vector.shape_cast %rsqrt3A : vector<1024xf32> to vector<1024x1xf32>
    %mul3A = vector.broadcast %broadcast_in_dim3A : vector<1024x1xf32> to vector<1024x128xf32>
    %mul3A_17 = arith.mulf %dot_general3A_16, %mul3A : vector<1024x128xf32>
    %swap3A = arith.constant 0 : index
    %swap3A_18 = arith.constant 0 : index
    %swap3A_19 = vector.load %arg4[%swap3A, %swap3A_18] : memref<1024x128xf32, #tpu.memory_space<vmem>>, vector<1024x128xf32>
    tpu.vector_store %arg4[%swap3A, %swap3A_18], %mul3A_17 {strides = array<i32>} : memref<1024x128xf32, #tpu.memory_space<vmem>>, vector<1024x128xf32>,
    return
  }
  func.func @transform_0(%arg0: i32) -> (i32, i32) {
    %c0_i32 = arith.constant 0 : i32
    %c0_i32_0 = arith.constant 0 : i32
    return %c0_i32, %arg0 : i32, i32
  }
  func.func @transform_1(%arg0: i32) -> (i32, i32) {
    %c0_i32 = arith.constant 0 : i32
    %c0_i32_0 = arith.constant 0 : i32
    return %arg0, %c0_i32 : i32, i32
  }
  func.func @transform_2(%arg0: i32) -> (i32, i32) {
    %c0_i32 = arith.constant 0 : i32
    %c0_i32_0 = arith.constant 0 : i32
    %c0_i32_1 = arith.constant 0 : i32
    return %c0_i32, %c0_i32_0 : i32, i32
  }
  func.func @transform_3(%arg0: i32) -> (i32, i32) {
    %c0_i32 = arith.constant 0 : i32
    %c0_i32_0 = arith.constant 0 : i32
    return %arg0, %c0_i32 : i32, i32
  }
}

module attributes {stable_mosaic.version = 14 : i64} {
  func.func @_combine_body(%arg0: i32, %arg1: memref<2x1024xf32, #tpu.memory_space<vmem>>, %arg2: memref<2x1024x128xf32, #tpu.memory_space<vmem>>, %arg3: memref<1024x128xf32, #tpu.memory_space<vmem>>, %arg4: memref<1x128xf32, #tpu.memory_space<vmem>>, %arg5: memref<1024x128xf32, #tpu.memory_space<vmem>>) attributes {dimension_semantics = [#tpu.dimension_semantics<arbitrary>], iteration_bounds = array<i64: 10>, scalar_prefetch = 0 : i64, scratch_operands = 0 : i64, tpu.core_type = #tpu.core_type<tc>, window_params = [{transform_indices = @transform_0, window_bounds = array<i64: 2, 1024>}, {transform_indices = @transform_1, window_bounds = array<i64: 2, 1024, 128>}, {transform_indices = @transform_2, window_bounds = array<i64: 1024, 128>}, {pipeline_mode = #tpu.pipeline_mode<synchronous>, transform_indices = @transform_3, window_bounds = array<i64: 1, 128>}, {transform_indices = @transform_4, window_bounds = array<i64: 1024, 128>}]} {
    %get3A = arith.constant 0 : index
    %get3A_0 = arith.constant 0 : index
    %get3A_1 = vector.load %arg1[%get3A, %get3A_0] : memref<2x1024xf32, #tpu.memory_space<vmem>>, vector<1x1024xf32>
    %get3A_2 = vector.shape_cast %get3A_1 : vector<1x1024xf32> to vector<1024xf32>
    %get3A_3 = arith.constant 1 : index
    %get3A_4 = arith.constant 0 : index
    %get3A_5 = vector.load %arg1[%get3A_3, %get3A_4] : memref<2x1024xf32, #tpu.memory_space<vmem>>, vector<1x1024xf32>
    %get3A_6 = vector.shape_cast %get3A_5 : vector<1x1024xf32> to vector<1024xf32>
    %add3A = arith.addf %get3A_2, %get3A_6 : vector<1024xf32>
    %add3A_7 = arith.constant 1.000000e+00 : f32
    %add3A_8 = vector.broadcast %add3A_7 : f32 to vector<1024xf32>
    %add3A_9 = arith.addf %add3A, %add3A_8 : vector<1024xf32>
    %rsqrt3A = math.rsqrt %add3A_9 : vector<1024xf32>
    %get3A_10 = arith.constant 0 : index
    %get3A_11 = arith.constant 0 : index
    %get3A_12 = arith.constant 0 : index
    %get3A_13 = vector.load %arg2[%get3A_10, %get3A_11, %get3A_12] : memref<2x1024x128xf32, #tpu.memory_space<vmem>>, vector<1x1024x128xf32>
    %get3A_14 = vector.shape_cast %get3A_13 : vector<1x1024x128xf32> to vector<1024x128xf32>
    %get3A_15 = arith.constant 1 : index
    %get3A_16 = arith.constant 0 : index
    %get3A_17 = arith.constant 0 : index
    %get3A_18 = vector.load %arg2[%get3A_15, %get3A_16, %get3A_17] : memref<2x1024x128xf32, #tpu.memory_space<vmem>>, vector<1x1024x128xf32>
    %get3A_19 = vector.shape_cast %get3A_18 : vector<1x1024x128xf32> to vector<1024x128xf32>
    %add3A_20 = arith.addf %get3A_14, %get3A_19 : vector<1024x128xf32>
    %get3A_21 = arith.constant 0 : index
    %get3A_22 = arith.constant 0 : index
    %get3A_23 = vector.load %arg3[%get3A_21, %get3A_22] : memref<1024x128xf32, #tpu.memory_space<vmem>>, vector<1024x128xf32>
    %add3A_24 = arith.addf %add3A_20, %get3A_23 : vector<1024x128xf32>
    %broadcast_in_dim3A = vector.shape_cast %rsqrt3A : vector<1024xf32> to vector<1024x1xf32>
    %mul3A = vector.broadcast %broadcast_in_dim3A : vector<1024x1xf32> to vector<1024x128xf32>
    %mul3A_25 = arith.mulf %add3A_24, %mul3A : vector<1024x128xf32>
    %get3A_26 = arith.constant 0 : index
    %get3A_27 = arith.constant 0 : index
    %get3A_28 = vector.load %arg4[%get3A_26, %get3A_27] : memref<1x128xf32, #tpu.memory_space<vmem>>, vector<1x128xf32>
    %add3A_29 = vector.broadcast %get3A_28 : vector<1x128xf32> to vector<1024x128xf32>
    %add3A_30 = arith.addf %mul3A_25, %add3A_29 : vector<1024x128xf32>
    %swap3A = arith.constant 0 : index
    %swap3A_31 = arith.constant 0 : index
    %swap3A_32 = vector.load %arg5[%swap3A, %swap3A_31] : memref<1024x128xf32, #tpu.memory_space<vmem>>, vector<1024x128xf32>
    tpu.vector_store %arg5[%swap3A, %swap3A_31], %add3A_30 {strides = array<i32>} : memref<1024x128xf32, #tpu.memory_space<vmem>>, vector<1024x128xf32>,
    return
  }
  func.func @transform_0(%arg0: i32) -> (i32, i32) {
    %c0_i32 = arith.constant 0 : i32
    %c0_i32_0 = arith.constant 0 : i32
    return %c0_i32, %arg0 : i32, i32
  }
  func.func @transform_1(%arg0: i32) -> (i32, i32, i32) {
    %c0_i32 = arith.constant 0 : i32
    %c0_i32_0 = arith.constant 0 : i32
    %c0_i32_1 = arith.constant 0 : i32
    return %c0_i32, %arg0, %c0_i32_0 : i32, i32, i32
  }
  func.func @transform_2(%arg0: i32) -> (i32, i32) {
    %c0_i32 = arith.constant 0 : i32
    %c0_i32_0 = arith.constant 0 : i32
    return %arg0, %c0_i32 : i32, i32
  }
  func.func @transform_3(%arg0: i32) -> (i32, i32) {
    %c0_i32 = arith.constant 0 : i32
    %c0_i32_0 = arith.constant 0 : i32
    %c0_i32_1 = arith.constant 0 : i32
    return %c0_i32, %c0_i32_0 : i32, i32
  }
  func.func @transform_4(%arg0: i32) -> (i32, i32) {
    %c0_i32 = arith.constant 0 : i32
    %c0_i32_0 = arith.constant 0 : i32
    return %arg0, %c0_i32 : i32, i32
  }
}

</mosaic_0001>

<sc_bundles>
// kernel: kernel.6.cloned.1.call-start
scs
__scs_entry_jumppad:
0x0: {  	(pc) =	sbr.rel $0x88, $3  }
0x1: {  	(tag) =	ssettag $0x0;
	lr =	simm.s32 $0x1  }
0x2: {  	[smem:$0x3F9D] =	sst lr;
	_ =	strace $0xD0000000  }
0x3: {  	_ = 	snop  }
0x4: {  	_ = 	snop  }
0x5: {  	_ = 	snop  }
0x6: {  	_ = 	snop  }
0x7: {  	_ = 	snop  }
__scs_overlays_trampoline_lowered:
0x8: {  	[smem:$0x3FAC] =	sst s0  }
0x9: {  	[smem:$0x3FAD] =	sst s1  }
0xa: {  	[smem:$0x3FAE] =	sst s2  }
0xb: {  	[smem:$0x3FAF] =	sst s3  }
0xc: {  	[smem:$0x3FB0] =	sst s4  }
0xd: {  	[smem:$0x3FB1] =	sst s5  }
0xe: {  	[smem:$0x3FB2] =	sst s6  }
0xf: {  	[smem:$0x3FB3] =	sst s7  }
0x10: {  	[smem:$0x3FB4] =	sst s8  }
0x11: {  	[smem:$0x3FB5] =	sst s9;
	s0 =	simm.s32 @!p0 $0x0  }
0x12: {  	s1 =	sld [smem:$0x3F9B];
	s0 =	simm.s32 @p0 $0x1  }
0x13: {  	[smem:$0x3FB6] =	sst s0;
	s0 =	simm.s32 @!p1 $0x0  }
0x14: {  	s2 =	sld [smem:$0x3F9A];
	s0 =	simm.s32 @p1 $0x1  }
0x15: {  	[smem:$0x3FB7] =	sst s0;
	s0 =	simm.s32 @!p2 $0x0  }
0x16: {  	s3 =	sld [smem:$0x3FDB];
	s0 =	simm.s32 @p2 $0x1  }
0x17: {  	s4 =	simm.s32 $0x1BF5;
	[smem:$0x3FB9] =	sst s0  }
0x18: {  	s0 =	sld [smem:$0x3F9C];
	_ =	swait.ge [sflag:s4], $0x0  }
0x19: {  	s7 =	sld [smem:$0x3F9D]  }
0x1a: {  	s8 =	sadd.s32 $0xFFFFE003, lr  }
0x1b: {  	s9 =	sadd.s32 $0xFFFFFEF7, lr;
	s5 =	simm.s32 $0xFFFFFFFF;
	p2 =	slt.u32 s8, $0xFFFFF086  }
0x1c: {  	p1 =	slt.u32 s9, $0xF7A;
	s5 =	simm.s32 @!p2 $0x0  }
0x1d: {  	s5 =	simm.s32 @p1 $0x1;
	p0 =	seq.s32 s7, s2  }
0x1e: {  	s7 =	smul.u32 @!p0 $0xF7A, s2;
	p2 =	seq.s32 @!p0 s5, $0x0  }
0x1f: {  	s9 =	smul.u32 $0xF7A, s1;
	s8 =	simm.s32 @!p0 $0x1BF5;
	p2 =	por !p2, p0  }
0x20: {  	[sflag:s8] =	ssyncset.s32 @!p0 $0xFFFFF086;
	s6 =	sadd.s32 @!p0 s3, s7;
	s7 =	simm.s32 @!p0 $0x108  }
0x21: {  	s3 =	sadd.s32 s3, s9;
	s6 =	sadd.s32 @!p0 $0x88, s6;
	s7 =	simm.s32 @p2 $0x1082  }
0x22: {  	[simem:s7], [sflag:s8] =	dma.local @!p0 [hbm:s6], $0xF7A  }
0x23: {  	s9 =	sor.u32 $0xD0000000, s2;
	s6 =	simm.s32 $0x108;
	_ =	swait.ge @!p0 [sflag:s8], $0x0  }
0x24: {  	s3 =	sadd.s32 $0x88, s3;
	s6 =	simm.s32 @!p1 $0x1082;
	[sflag:s4] =	ssyncset.s32 $0xFFFFF086  }
0x25: {  	[simem:s6], [sflag:s4] =	dma.local [hbm:s3], $0xF7A  }
0x26: {  	[smem:$0x3F9D] =	sst s1;
	(tag) =	ssettag s2;
	_ =	strace s9  }
0x27: {  	s1 =	sld [smem:$0x3FAD]  }
0x28: {  	s2 =	sld [smem:$0x3FAE]  }
0x29: {  	s4 =	sld [smem:$0x3FB0]  }
0x2a: {  	p0 =	seq.s32 s5, $0x0;
	s5 =	sld [smem:$0x3FB1]  }
0x2b: {  	s6 =	sld [smem:$0x3FB2]  }
0x2c: {  	s7 =	sld [smem:$0x3FB3]  }
0x2d: {  	s3 =	simm.s32 $0x108;
	s8 =	sld [smem:$0x3FB4]  }
0x2e: {  	s3 =	simm.s32 @!p0 $0x1082;
	s9 =	sld [smem:$0x3FB5]  }
0x2f: {  	lr =	sadd.s32 s0, s3;
	s0 =	sld [smem:$0x3FAC]  }
0x30: {  	s3 =	sld [smem:$0x3FAF]  }
0x31: {  	[smem:$0x3FB8] =	sst s10  }
0x32: {  	s10 =	sld [smem:$0x3FB6];
	_ =	sdelay $0x3  }
0x33: {  	p0 =	seq.s32 s10, $0x1;
	s10 =	sld [smem:$0x3FB8];
	_ =	sdelay $0x3  }
0x34: {  	[smem:$0x3FB8] =	sst s10  }
0x35: {  	s10 =	sld [smem:$0x3FB7];
	_ =	sdelay $0x3  }
0x36: {  	p1 =	seq.s32 s10, $0x1;
	s10 =	sld [smem:$0x3FB8];
	_ =	sdelay $0x3  }
0x37: {  	[smem:$0x3FB8] =	sst s10  }
0x38: {  	s10 =	sld [smem:$0x3FB9]  }
0x39: {  	_ = 	snop;
	(pc) =	sbr.ind lr, $3  }
0x3a: {  	_ = 	snop  }
0x3b: {  	_ = 	snop  }
0x3c: {  	p2 =	seq.s32 s10, $0x1;
	s10 =	sld [smem:$0x3FB8]  }
0x3d: {  	_ =	shalt  }
0x3e: {  	_ =	shalt  }
0x3f: {  	_ =	shalt  }
0x40: {  	_ =	shalt  }
0x41: {  	_ =	shalt  }
0x42: {  	_ =	shalt  }
0x43: {  	_ =	shalt  }
0x44: {  	_ =	shalt  }
0x45: {  	_ =	shalt  }
0x46: {  	_ =	shalt  }
0x47: {  	_ =	shalt  }
0x48: {  	_ =	shalt  }
0x49: {  	_ =	shalt  }
0x4a: {  	_ =	shalt  }
0x4b: {  	_ =	shalt  }
0x4c: {  	_ =	shalt  }
0x4d: {  	_ =	shalt  }
0x4e: {  	_ =	shalt  }
0x4f: {  	_ =	shalt  }
0x50: {  	_ =	shalt  }
0x51: {  	_ =	shalt  }
0x52: {  	_ =	shalt  }
0x53: {  	_ =	shalt  }
0x54: {  	_ =	shalt  }
0x55: {  	_ =	shalt  }
0x56: {  	_ =	shalt  }
0x57: {  	_ =	shalt  }
0x58: {  	_ =	shalt  }
0x59: {  	_ =	shalt  }
0x5a: {  	_ =	shalt  }
0x5b: {  	_ =	shalt  }
0x5c: {  	_ =	shalt  }
0x5d: {  	_ =	shalt  }
0x5e: {  	_ =	shalt  }
0x5f: {  	_ =	shalt  }
0x60: {  	_ =	shalt  }
0x61: {  	_ =	shalt  }
0x62: {  	_ =	shalt  }
0x63: {  	_ =	shalt  }
0x64: {  	_ =	shalt  }
0x65: {  	_ =	shalt  }
0x66: {  	_ =	shalt  }
0x67: {  	_ =	shalt  }
0x68: {  	_ =	shalt  }
0x69: {  	_ =	shalt  }
0x6a: {  	_ =	shalt  }
0x6b: {  	_ =	shalt  }
0x6c: {  	_ =	shalt  }
0x6d: {  	_ =	shalt  }
0x6e: {  	_ =	shalt  }
0x6f: {  	_ =	shalt  }
0x70: {  	_ =	shalt  }
0x71: {  	_ =	shalt  }
0x72: {  	_ =	shalt  }
0x73: {  	_ =	shalt  }
0x74: {  	_ =	shalt  }
0x75: {  	_ =	shalt  }
0x76: {  	_ =	shalt  }
0x77: {  	_ =	shalt  }
0x78: {  	_ =	shalt  }
0x79: {  	_ =	shalt  }
0x7a: {  	_ =	shalt  }
0x7b: {  	_ =	shalt  }
0x7c: {  	_ =	shalt  }
0x7d: {  	_ =	shalt  }
0x7e: {  	_ =	shalt  }
0x7f: {  	_ =	shalt  }
0x80: {  	_ =	shalt  }
0x81: {  	_ =	shalt  }
0x82: {  	_ =	shalt  }
0x83: {  	_ =	shalt  }
0x84: {  	_ =	shalt  }
0x85: {  	_ =	shalt  }
0x86: {  	_ =	shalt  }
0x87: {  	_ =	shalt  }
.Lfunc_end0:
.L_simem_size_0:
called_computation_lowered:
.L_overlay_start_0:
0x88: {  	s2 =	sld [smem:$0x3FD9]  }
0x89: {  	s3 =	sld [smem:$0x3FFE];
	_ =	sdelay $0x1  }
0x8a: {  	s1 =	srdreg.scid  }
0x8b: {  	s0 =	sand.u32 $0x1, s1  }
0x8c: {  	s16 =	sshll.u32 s0, $0xA;
	s2 =	sadd.s32 s3, s2  }
0x8d: {  	s2 =	sadd.s32 s2, s16  }
0x8e: {  	[smem:$0x3FC4] =	sst s2  }
0x8f: {  	_ = 	snop  }
0x90: {  	(tm) =	ssettm $0x1  }
0x91: {  	s17 =	sld [smem:$0x3FFB];
	_ =	sdelay $0x3  }
0x92: {  	_ =	strace s17  }
0x93: {  	s2 =	sld [smem:$0x3FFC];
	_ =	sdelay $0x3  }
0x94: {  	_ =	strace s2  }
0x95: {  	s2 =	sld [smem:$0x3FFD];
	_ =	sdelay $0x3  }
0x96: {  	_ =	strace s2  }
0x97: {  	_ =	strace $0x8FFFFFFF  }
0x98: {  	s18 =	sld [smem:$0x3FDB];
	_ =	sdelay $0x1  }
0x99: {  	s19 =	simm.s32 $_scs_section_size  }
0x9a: {  	s4 =	simm.s32 $_size__tile_overlayer_lowered;
	s5 =	simm.s32 $_tile_overlayer_lowered  }
0x9b: {  	s22 =	simm.s32 $0x1BFF;
	s21 =	sshll.u32 s5, $0x1;
	s2 =	sadd.s32 s19, s18  }
0x9c: {  	s6 =	simm.s32 $0x0;
	s20 =	sshll.u32 s4, $0x1;
	s4 =	sadd.s32 s21, s2  }
0x9d: {  	[timem:s6], [sflag:s22] =	dma.local [hbm:s4], s20  }
0x9e: {  	_ =	swait.ge [sflag:s22], s20  }
0x9f: {  	s3 =	ssub.s32 $0x0, s20;
	[sflag:s22] =	ssyncset.done $0x0  }
0xa0: {  	[sflag:s22] =	ssyncadd.s32 s3;
	_ =	sdelay $0x1  }
0xa1: {  	s23 =	simm.s32 $0x1B8B  }
0xa2: {  	_ =	swait.ge [sflag:s23], $0x1  }
0xa3: {  	[sflag:s23] =	ssyncset.done $0x0  }
0xa4: {  	s25 =	simm.s32 $0x1B8E;
	s24 =	sld [smem:$0x3FFE];
	[sflag:s23] =	ssyncadd.s32 $0xFFFFFFFF  }
0xa5: {  	s26 =	simm.s32 $execute0_lowered;
	[smem:$0x3FD2] =	sst s25  }
0xa6: {  	s4 =	sshll.u32 s26, $0x1;
	_ =	strace $0x80000046;
	[dreg:$0x1] =	wrdreg $0xFFFFFFFF  }
0xa7: {  	s28 =	simm.s32 $_size_execute0_lowered;
	s2 =	sadd.s32 s2, s4;
	[dreg:$0x0] =	wrdreg $0x0  }
0xa8: {  	s4 =	sshll.u32 s28, $0x1;
	[dreg:$0x2] =	wrdreg s2  }
0xa9: {  	[dreg:$0x3] =	wrdreg s4  }
0xaa: {  	[dreg:$0x4] =	wrdreg $0xC0  }
0xab: {  	_ =	task [dreg:s6], $0x5FFFF  }
0xac: {  	[dreg:$0x1] =	wrdreg $0xFFFFFFFF  }
0xad: {  	[dreg:$0x0] =	wrdreg $0x60  }
0xae: {  	[dreg:$0x2] =	wrdreg s24  }
0xaf: {  	[dreg:$0x3] =	wrdreg $0x43000  }
0xb0: {  	[dreg:$0x4] =	wrdreg $0x9  }
0xb1: {  	_ =	task.clear_ibuf [dreg:s6], $0x5FFFF;
	_ =	strace $0x90000046  }
0xb2: {  	s29 =	simm.s32 $0x9;
	_ =	strace $0x80000048  }
0xb3: {  	_ =	swait.ge [sflag:s29], $0x1  }
0xb4: {  	[sflag:s29] =	ssyncadd.s32 $0xFFFFFFFF  }
0xb5: {  	_ =	strace $0x90000048  }
0xb6: {  	_ =	sfence  }
0xb7: {  	s30 =	sld [smem:$0x0];
	_ =	sdelay $0x2  }
0xb8: {  	s31 =	sshll.u32 s1, $0xD;
	s1 =	sshrl.u32 s1, $0x2  }
0xb9: {  	s3 =	sand.u32 $0x4000, s31;
	s1 =	sadd.s32 s1, s30  }
0xba: {  	s0 =	sor.u32 s3, s0;
	s1 =	sshll.u32 s1, $0x11  }
0xbb: {  	s0 =	sor.u32 s1, s0  }
0xbc: {  	s0 =	sadd.s32 $0x8F2B, s0  }
0xbd: {  	[sflag:s0] =	ssyncadd.remote.s32 $0x1  }
0xbe: {  	_ =	sfence.sel $0xFFFF  }
0xbf: {  	[dreg:$0x0] =	wrdreg $0xFFFFFFFF;
	(pc) =	sbr.abs _section_cstart, $3  }
0xc0: {  	[dreg:$0x1] =	wrdreg $0xFFFFFFFF  }
0xc1: {  	_ =	task.clear_ibuf [dreg:s6], $0x2FFFF;
	_ =	strace $0x9FFFFFFF  }
0xc2: {  	(tm) =	ssettm $0x7FFFFFFF  }
0xc3: {  	_ =	shalt  }
tec
execute0_lowered:
.L_overlay_start_1:
0x0: {  	(tag) =	ssettag $0x1  }
0x1: {  	s5 =	rddreg [dreg:$0x0]  }
0x2: {  	s2 =	rddreg [dreg:$0x1]  }
0x3: {  	s0 =	rddreg [dreg:$0x2];
	s4 =	srdreg.scid  }
0x4: {  	s1 =	stileid.u32;
	s3 =	simm.s32 $0x0;
	s11 =	simm.s32 $0x4080  }
0x5: {  	s12 =	simm.s32 $0x50;
	s13 =	simm.s32 $0x1;
	s14 =	simm.s32 $0x2  }
0x6: {  	s17 =	simm.s32 $0x20;
	s18 =	simm.s32 $0x10;
	s19 =	simm.s32 $0x0  }
0x7: {  	s6 =	sand.u32 $0x1, s4;
	s28 =	smul.u32 $0x500, s1;
	[smem:$0x7FF] =	sst s3  }
0x8: {  	s4 =	sadd.s32 $0x1BA00, s5;
	s9 =	sshll.u32 s1, $0xC;
	s10 =	smul.u32 $0xA00, s1  }
0x9: {  	s15 =	sshll.u32 s1, $0x6;
	s7 =	sshll.u32 s6, $0x7;
	_ =	strace $0x80000047  }
0xa: {  	s8 =	sshll.u32 s6, $0xB;
	s6 =	ssub.s32 $0x2, s6;
	s15 =	sor.u32 $0x1C03, s15  }
0xb: {  	s7 =	sor.u32 s7, s28;
	s8 =	sadd.s32 s8, s5;
	s29 =	sshrl.u32 s6, $0x1  }
0xc: {  	s31 =	sshrl.u32 s10, $0x2;
	s10 =	simm.s32 $0x4000;
	s7 =	sshrl.u32 s7, $0x3  }
0xd: {  	s8 =	sadd.s32 s9, s8;
	s30 =	ssub.s32 s6, s29;
	s6 =	sadd.s32 s31, s2  }
0xe: {  	s9 =	simm.s32 $0x3;
	s7 =	sadd.s32 s7, s5;
	s5 =	sadd.s32 $0xBA00, s8  }
0xf: {  	v0 =	vimm.f32 $0.0e+00;
	s8 =	smax.u32 s30, $0x1;
	s16 =	sshrl.u32 s6, $0x3;
	s7 =	sadd.s32 $0x1BC00, s7  }
.LBB2_1:
0x10: {  	[tilespmem:s3], [sflag:$0x3] =	stream.linear.gather [hbm4b:s5+s3], $0x3F00, $0x38;
	[tilespmem:$0x4580] =	vst v63  }
0x11: {  	_ =	swait.ge [sflag:s9], $0x3F00  }
0x12: {  	[sflag:s9] =	ssyncset.done $0x0  }
0x13: {  	[sflag:s9] =	ssyncadd.s32 $0xFFFFC100  }
0x14: {  	[tilespmem:s10], [sflag:$0x3] =	stream.linear.gather [hbm4b:s4+s3], $0x80, $0x38;
	[tilespmem:$0x4580] =	vst v63  }
0x15: {  	_ =	swait.ge [sflag:s9], $0x80  }
0x16: {  	[sflag:s9] =	ssyncset.done $0x0  }
0x17: {  	[sflag:s9] =	ssyncadd.s32 $0xFFFFFF80  }
0x18: {  	[tilespmem:$0x4080] =	vst v0  }
0x19: {  	[tilespmem:$0x4090] =	vst v0  }
0x1a: {  	[tilespmem:$0x40A0] =	vst v0  }
0x1b: {  	[tilespmem:$0x40B0] =	vst v0  }
0x1c: {  	[tilespmem:$0x40C0] =	vst v0  }
0x1d: {  	[tilespmem:$0x40D0] =	vst v0  }
0x1e: {  	[tilespmem:$0x40E0] =	vst v0  }
0x1f: {  	[tilespmem:$0x40F0] =	vst v0  }
0x20: {  	[tilespmem:$0x4100] =	vst v0  }
0x21: {  	[tilespmem:$0x4110] =	vst v0  }
0x22: {  	[tilespmem:$0x4120] =	vst v0  }
0x23: {  	[tilespmem:$0x4130] =	vst v0  }
0x24: {  	[tilespmem:$0x4140] =	vst v0  }
0x25: {  	[tilespmem:$0x4150] =	vst v0  }
0x26: {  	[tilespmem:$0x4160] =	vst v0  }
0x27: {  	[tilespmem:$0x4170] =	vst v0  }
0x28: {  	[tilespmem:$0x4180] =	vst v0  }
0x29: {  	[tilespmem:$0x4190] =	vst v0  }
0x2a: {  	[tilespmem:$0x41A0] =	vst v0  }
0x2b: {  	[tilespmem:$0x41B0] =	vst v0  }
0x2c: {  	[tilespmem:$0x41C0] =	vst v0  }
0x2d: {  	[tilespmem:$0x41D0] =	vst v0  }
0x2e: {  	[tilespmem:$0x41E0] =	vst v0  }
0x2f: {  	[tilespmem:$0x41F0] =	vst v0  }
0x30: {  	[tilespmem:$0x4200] =	vst v0  }
0x31: {  	[tilespmem:$0x4210] =	vst v0  }
0x32: {  	[tilespmem:$0x4220] =	vst v0  }
0x33: {  	[tilespmem:$0x4230] =	vst v0  }
0x34: {  	[tilespmem:$0x4240] =	vst v0  }
0x35: {  	[tilespmem:$0x4250] =	vst v0  }
0x36: {  	[tilespmem:$0x4260] =	vst v0  }
0x37: {  	[tilespmem:$0x4270] =	vst v0  }
0x38: {  	[tilespmem:$0x4280] =	vst v0  }
0x39: {  	[tilespmem:$0x4290] =	vst v0  }
0x3a: {  	[tilespmem:$0x42A0] =	vst v0  }
0x3b: {  	[tilespmem:$0x42B0] =	vst v0  }
0x3c: {  	[tilespmem:$0x42C0] =	vst v0  }
0x3d: {  	[tilespmem:$0x42D0] =	vst v0  }
0x3e: {  	[tilespmem:$0x42E0] =	vst v0  }
0x3f: {  	[tilespmem:$0x42F0] =	vst v0  }
0x40: {  	[spmem:s6] =	stream.linear.scatter [tilespmem:s11], [sflag:$0x3], $0x280, $0x38;
	[tilespmem:$0x4580] =	vst v63  }
0x41: {  	_ =	swait.ge [sflag:s9], $0x280  }
0x42: {  	[sflag:s9] =	ssyncset.done $0x0  }
0x43: {  	[sflag:s9] =	ssyncadd.s32 $0xFFFFFD80  }
0x44: {  	s20 =	simm.s32 $0x0;
	[bflag:$0x0] =	sbarrier.arrive $0xFFFF  }
0x45: {  	[spmem:s2] =	stream.indirect.scatter.add.f32 [tilespmem:s10], [sflag:$0x1], $0x1, s20, s12, $0xb8;
	[tilespmem:$0x4580] =	vst v63  }
0x46: {  	s31 =	simm.s32 $0x80  }
0x47: {  	[spmem:s2] =	stream.indirect.scatter.add.f32 [tilespmem:s10], [sflag:$0x2], $0x1, s31, s12, $0xb8;
	[tilespmem:$0x4580] =	vst v63  }
0x48: {  	_ =	swait.ge [sflag:s13], $0x50  }
0x49: {  	[sflag:s13] =	ssyncset.done $0x0  }
0x4a: {  	[sflag:s13] =	ssyncadd.s32 $0xFFFFFFB0  }
0x4b: {  	_ =	swait.ge [sflag:s14], $0x50  }
0x4c: {  	s21 =	simm.s32 $0x800;
	s20 =	simm.s32 $0x400;
	[sflag:s14] =	ssyncset.done $0x0  }
.LBB2_2:
0x4d: {  	s22 =	sshra.s32 s20, $0x2  }
0x4e: {  	[sflag:s14] =	ssyncadd.s32 $0xFFFFFFB0;
	s20 =	smov.u32 s21;
	s23 =	sadd.s32 $0x400, s21  }
0x4f: {  	[spmem:s2] =	stream.indirect.scatter.add.f32 [tilespmem:s10], [sflag:$0x1], $0x1, s22, s12, $0xb8;
	[tilespmem:$0x4580] =	vst v63  }
0x50: {  	p0 =	sne.s32 s21, $0xF800;
	s21 =	sadd.s32 $0x80, s22  }
0x51: {  	[spmem:s2] =	stream.indirect.scatter.add.f32 [tilespmem:s10], [sflag:$0x2], $0x1, s21, s12, $0xb8;
	[tilespmem:$0x4580] =	vst v63  }
.Ltmp0:
0x52: {  	_ =	swait.ge [sflag:s13], $0x50;
	(pc) =	sbr.rel @p0 .LBB2_2-.Ltmp0, $4  }
0x53: {  	[sflag:s13] =	ssyncset.done $0x0  }
0x54: {  	[sflag:s13] =	ssyncadd.s32 $0xFFFFFFB0  }
0x55: {  	_ =	swait.ge [sflag:s14], $0x50  }
0x56: {  	s21 =	smov.u32 s23;
	[sflag:s14] =	ssyncset.done $0x0  }
0x57: {  	s20 =	sshra.s32 s20, $0x2;
	[sflag:s14] =	ssyncadd.s32 $0xFFFFFFB0  }
0x58: {  	[spmem:s2] =	stream.indirect.scatter.add.f32 [tilespmem:s10], [sflag:$0x1], $0x1, s20, s12, $0xb8;
	[tilespmem:$0x4580] =	vst v63  }
0x59: {  	s20 =	sadd.s32 $0x80, s20  }
0x5a: {  	[spmem:s2] =	stream.indirect.scatter.add.f32 [tilespmem:s10], [sflag:$0x2], $0x1, s20, s12, $0xb8;
	[tilespmem:$0x4580] =	vst v63  }
0x5b: {  	_ =	swait.ge [sflag:s13], $0x50  }
0x5c: {  	[sflag:s13] =	ssyncset.done $0x0  }
0x5d: {  	[sflag:s13] =	ssyncadd.s32 $0xFFFFFFB0  }
0x5e: {  	_ =	swait.ge [sflag:s14], $0x50  }
0x5f: {  	s19 =	sadd.s32 $0x1, s19;
	[sflag:s14] =	ssyncset.done $0x0  }
0x60: {  	p0 =	sne.s32 s19, s8;
	[sflag:s14] =	ssyncadd.s32 $0xFFFFFFB0  }
.Ltmp1:
0x61: {  	[bflag:$0x0] =	sbarrier.arrive $0xFFFF;
	(pc) =	sbr.rel @p0 .LBB2_1-.Ltmp1, $4  }
0x62: {  	[hbm:s7@s17], [sflag:s15] =	dma.strided [spmem:s16@s18], $0x50, s13, $0x10   }
0x63: {  	_ =	swait.ge [sflag:s9], $0x50  }
0x64: {  	[sflag:s9] =	ssyncset.done $0x0  }
0x65: {  	[sflag:s9] =	ssyncadd.s32 $0xFFFFFFB0  }
0x66: {  	_ =	sfence.sel $0x180000  }
0x67: {  	[bflag:$0x0] =	sbarrier.arrive $0xFFFF  }
0x68: {  	p0 =	sne.s32 s1, $0x0;
	_ =	strace $0x90000047  }
0x69: {  	s0 =	sadd.s32 @!p0 $0x100000, s0;
	[bflag:$0x2] =	sbarrier.arrive $0xFFFF  }
0x6a: {  	[sflag:s0] =	ssyncadd.tile.s32 @!p0 $0x1;
	_ =	shalt  }
.Lfunc_end2:
_tile_overlayer_lowered:
.L_overlay_start_2:
0x6b: {  	(tag) =	ssettag $0x2  }
0x6c: {  	s0 =	rddreg [dreg:$0x0];
	s2 =	stileid.u32  }
0x6d: {  	s1 =	rddreg [dreg:$0x1];
	p0 =	sne.s32 s2, $0x0  }
0x6e: {  	s3 =	rddreg [dreg:$0x2];
	[bflag:$0x3] =	sbarrier.arrive $0xFFFF;
	s2 =	simm.s32 @!p0 $0x1C03  }
0x6f: {  	[timem:s3], [sflag:s2] =	dma.local @!p0 [hbm:s0], s1  }
0x70: {  	s0 =	simm.s32 @!p0 $0x3  }
0x71: {  	_ =	swait.ge @!p0 [sflag:s0], s1  }
0x72: {  	s1 =	ssub.s32 @!p0 $0x0, s1;
	[sflag:s0] =	ssyncset.done @!p0 $0x0  }
0x73: {  	[sflag:s0] =	ssyncadd.s32 @!p0 s1  }
0x74: {  	[bflag:$0x3] =	sbarrier.arrive $0xFFFF  }
0x75: {  	_ =	shalt  }

// kernel: kernel.9.cloned.1.call-start
scs
__scs_entry_jumppad:
0x0: {  	(pc) =	sbr.rel $0x88, $3  }
0x1: {  	(tag) =	ssettag $0x0;
	lr =	simm.s32 $0x1  }
0x2: {  	[smem:$0x3F9D] =	sst lr;
	_ =	strace $0xD0000000  }
0x3: {  	_ = 	snop  }
0x4: {  	_ = 	snop  }
0x5: {  	_ = 	snop  }
0x6: {  	_ = 	snop  }
0x7: {  	_ = 	snop  }
__scs_overlays_trampoline_lowered:
0x8: {  	[smem:$0x3FAC] =	sst s0  }
0x9: {  	[smem:$0x3FAD] =	sst s1  }
0xa: {  	[smem:$0x3FAE] =	sst s2  }
0xb: {  	[smem:$0x3FAF] =	sst s3  }
0xc: {  	[smem:$0x3FB0] =	sst s4  }
0xd: {  	[smem:$0x3FB1] =	sst s5  }
0xe: {  	[smem:$0x3FB2] =	sst s6  }
0xf: {  	[smem:$0x3FB3] =	sst s7  }
0x10: {  	[smem:$0x3FB4] =	sst s8  }
0x11: {  	[smem:$0x3FB5] =	sst s9;
	s0 =	simm.s32 @!p0 $0x0  }
0x12: {  	s1 =	sld [smem:$0x3F9B];
	s0 =	simm.s32 @p0 $0x1  }
0x13: {  	[smem:$0x3FB6] =	sst s0;
	s0 =	simm.s32 @!p1 $0x0  }
0x14: {  	s2 =	sld [smem:$0x3F9A];
	s0 =	simm.s32 @p1 $0x1  }
0x15: {  	[smem:$0x3FB7] =	sst s0;
	s0 =	simm.s32 @!p2 $0x0  }
0x16: {  	s3 =	sld [smem:$0x3FDB];
	s0 =	simm.s32 @p2 $0x1  }
0x17: {  	s4 =	simm.s32 $0x1BF5;
	[smem:$0x3FB9] =	sst s0  }
0x18: {  	s0 =	sld [smem:$0x3F9C];
	_ =	swait.ge [sflag:s4], $0x0  }
0x19: {  	s7 =	sld [smem:$0x3F9D]  }
0x1a: {  	s8 =	sadd.s32 $0xFFFFE003, lr  }
0x1b: {  	s9 =	sadd.s32 $0xFFFFFEF7, lr;
	s5 =	simm.s32 $0xFFFFFFFF;
	p2 =	slt.u32 s8, $0xFFFFF086  }
0x1c: {  	p1 =	slt.u32 s9, $0xF7A;
	s5 =	simm.s32 @!p2 $0x0  }
0x1d: {  	s5 =	simm.s32 @p1 $0x1;
	p0 =	seq.s32 s7, s2  }
0x1e: {  	s7 =	smul.u32 @!p0 $0xF7A, s2;
	p2 =	seq.s32 @!p0 s5, $0x0  }
0x1f: {  	s9 =	smul.u32 $0xF7A, s1;
	s8 =	simm.s32 @!p0 $0x1BF5;
	p2 =	por !p2, p0  }
0x20: {  	[sflag:s8] =	ssyncset.s32 @!p0 $0xFFFFF086;
	s6 =	sadd.s32 @!p0 s3, s7;
	s7 =	simm.s32 @!p0 $0x108  }
0x21: {  	s3 =	sadd.s32 s3, s9;
	s6 =	sadd.s32 @!p0 $0x88, s6;
	s7 =	simm.s32 @p2 $0x1082  }
0x22: {  	[simem:s7], [sflag:s8] =	dma.local @!p0 [hbm:s6], $0xF7A  }
0x23: {  	s9 =	sor.u32 $0xD0000000, s2;
	s6 =	simm.s32 $0x108;
	_ =	swait.ge @!p0 [sflag:s8], $0x0  }
0x24: {  	s3 =	sadd.s32 $0x88, s3;
	s6 =	simm.s32 @!p1 $0x1082;
	[sflag:s4] =	ssyncset.s32 $0xFFFFF086  }
0x25: {  	[simem:s6], [sflag:s4] =	dma.local [hbm:s3], $0xF7A  }
0x26: {  	[smem:$0x3F9D] =	sst s1;
	(tag) =	ssettag s2;
	_ =	strace s9  }
0x27: {  	s1 =	sld [smem:$0x3FAD]  }
0x28: {  	s2 =	sld [smem:$0x3FAE]  }
0x29: {  	s4 =	sld [smem:$0x3FB0]  }
0x2a: {  	p0 =	seq.s32 s5, $0x0;
	s5 =	sld [smem:$0x3FB1]  }
0x2b: {  	s6 =	sld [smem:$0x3FB2]  }
0x2c: {  	s7 =	sld [smem:$0x3FB3]  }
0x2d: {  	s3 =	simm.s32 $0x108;
	s8 =	sld [smem:$0x3FB4]  }
0x2e: {  	s3 =	simm.s32 @!p0 $0x1082;
	s9 =	sld [smem:$0x3FB5]  }
0x2f: {  	lr =	sadd.s32 s0, s3;
	s0 =	sld [smem:$0x3FAC]  }
0x30: {  	s3 =	sld [smem:$0x3FAF]  }
0x31: {  	[smem:$0x3FB8] =	sst s10  }
0x32: {  	s10 =	sld [smem:$0x3FB6];
	_ =	sdelay $0x3  }
0x33: {  	p0 =	seq.s32 s10, $0x1;
	s10 =	sld [smem:$0x3FB8];
	_ =	sdelay $0x3  }
0x34: {  	[smem:$0x3FB8] =	sst s10  }
0x35: {  	s10 =	sld [smem:$0x3FB7];
	_ =	sdelay $0x3  }
0x36: {  	p1 =	seq.s32 s10, $0x1;
	s10 =	sld [smem:$0x3FB8];
	_ =	sdelay $0x3  }
0x37: {  	[smem:$0x3FB8] =	sst s10  }
0x38: {  	s10 =	sld [smem:$0x3FB9]  }
0x39: {  	_ = 	snop;
	(pc) =	sbr.ind lr, $3  }
0x3a: {  	_ = 	snop  }
0x3b: {  	_ = 	snop  }
0x3c: {  	p2 =	seq.s32 s10, $0x1;
	s10 =	sld [smem:$0x3FB8]  }
0x3d: {  	_ =	shalt  }
0x3e: {  	_ =	shalt  }
0x3f: {  	_ =	shalt  }
0x40: {  	_ =	shalt  }
0x41: {  	_ =	shalt  }
0x42: {  	_ =	shalt  }
0x43: {  	_ =	shalt  }
0x44: {  	_ =	shalt  }
0x45: {  	_ =	shalt  }
0x46: {  	_ =	shalt  }
0x47: {  	_ =	shalt  }
0x48: {  	_ =	shalt  }
0x49: {  	_ =	shalt  }
0x4a: {  	_ =	shalt  }
0x4b: {  	_ =	shalt  }
0x4c: {  	_ =	shalt  }
0x4d: {  	_ =	shalt  }
0x4e: {  	_ =	shalt  }
0x4f: {  	_ =	shalt  }
0x50: {  	_ =	shalt  }
0x51: {  	_ =	shalt  }
0x52: {  	_ =	shalt  }
0x53: {  	_ =	shalt  }
0x54: {  	_ =	shalt  }
0x55: {  	_ =	shalt  }
0x56: {  	_ =	shalt  }
0x57: {  	_ =	shalt  }
0x58: {  	_ =	shalt  }
0x59: {  	_ =	shalt  }
0x5a: {  	_ =	shalt  }
0x5b: {  	_ =	shalt  }
0x5c: {  	_ =	shalt  }
0x5d: {  	_ =	shalt  }
0x5e: {  	_ =	shalt  }
0x5f: {  	_ =	shalt  }
0x60: {  	_ =	shalt  }
0x61: {  	_ =	shalt  }
0x62: {  	_ =	shalt  }
0x63: {  	_ =	shalt  }
0x64: {  	_ =	shalt  }
0x65: {  	_ =	shalt  }
0x66: {  	_ =	shalt  }
0x67: {  	_ =	shalt  }
0x68: {  	_ =	shalt  }
0x69: {  	_ =	shalt  }
0x6a: {  	_ =	shalt  }
0x6b: {  	_ =	shalt  }
0x6c: {  	_ =	shalt  }
0x6d: {  	_ =	shalt  }
0x6e: {  	_ =	shalt  }
0x6f: {  	_ =	shalt  }
0x70: {  	_ =	shalt  }
0x71: {  	_ =	shalt  }
0x72: {  	_ =	shalt  }
0x73: {  	_ =	shalt  }
0x74: {  	_ =	shalt  }
0x75: {  	_ =	shalt  }
0x76: {  	_ =	shalt  }
0x77: {  	_ =	shalt  }
0x78: {  	_ =	shalt  }
0x79: {  	_ =	shalt  }
0x7a: {  	_ =	shalt  }
0x7b: {  	_ =	shalt  }
0x7c: {  	_ =	shalt  }
0x7d: {  	_ =	shalt  }
0x7e: {  	_ =	shalt  }
0x7f: {  	_ =	shalt  }
0x80: {  	_ =	shalt  }
0x81: {  	_ =	shalt  }
0x82: {  	_ =	shalt  }
0x83: {  	_ =	shalt  }
0x84: {  	_ =	shalt  }
0x85: {  	_ =	shalt  }
0x86: {  	_ =	shalt  }
0x87: {  	_ =	shalt  }
.Lfunc_end0:
.L_simem_size_0:
called_computation.1_lowered:
.L_overlay_start_0:
0x88: {  	s2 =	sld [smem:$0x3FD9]  }
0x89: {  	s3 =	sld [smem:$0x3FFE];
	_ =	sdelay $0x1  }
0x8a: {  	s1 =	srdreg.scid  }
0x8b: {  	s0 =	sand.u32 $0x1, s1  }
0x8c: {  	s17 =	sshll.u32 s0, $0xA;
	s2 =	sadd.s32 s3, s2  }
0x8d: {  	s2 =	sadd.s32 s2, s17  }
0x8e: {  	[smem:$0x3FC4] =	sst s2  }
0x8f: {  	_ = 	snop  }
0x90: {  	s2 =	sld [smem:$0x3FD0];
	(tm) =	ssettm $0x1  }
0x91: {  	s18 =	sld [smem:$0x3FFB];
	_ =	sdelay $0x3  }
0x92: {  	_ =	strace s18  }
0x93: {  	s3 =	sld [smem:$0x3FFC];
	_ =	sdelay $0x3  }
0x94: {  	_ =	strace s3  }
0x95: {  	s3 =	sld [smem:$0x3FFD];
	_ =	sdelay $0x3  }
0x96: {  	_ =	strace s3  }
0x97: {  	_ =	strace $0x8FFFFFFF  }
0x98: {  	s19 =	sld [smem:$0x3FDB];
	_ =	sdelay $0x1  }
0x99: {  	s4 =	simm.s32 $_scs_section_size  }
0x9a: {  	s5 =	simm.s32 $_size__tile_overlayer_lowered;
	s6 =	simm.s32 $_tile_overlayer_lowered  }
0x9b: {  	s22 =	simm.s32 $0x1BFF;
	s21 =	sshll.u32 s6, $0x1;
	s3 =	sadd.s32 s4, s19  }
0x9c: {  	s7 =	simm.s32 $0x0;
	s20 =	sshll.u32 s5, $0x1;
	s5 =	sadd.s32 s21, s3  }
0x9d: {  	[timem:s7], [sflag:s22] =	dma.local [hbm:s5], s20  }
0x9e: {  	_ =	swait.ge [sflag:s22], s20  }
0x9f: {  	s4 =	ssub.s32 $0x0, s20;
	[sflag:s22] =	ssyncset.done $0x0  }
0xa0: {  	[sflag:s22] =	ssyncadd.s32 s4;
	_ =	sdelay $0x1  }
0xa1: {  	s23 =	simm.s32 $0x1B8B  }
0xa2: {  	_ =	swait.ge [sflag:s23], $0x1  }
0xa3: {  	[sflag:s23] =	ssyncset.done $0x0  }
0xa4: {  	s25 =	simm.s32 $0x1B8E;
	s24 =	sld [smem:$0x3FFE];
	[sflag:s23] =	ssyncadd.s32 $0xFFFFFFFF  }
0xa5: {  	s26 =	simm.s32 $execute0_lowered;
	[smem:$0x3FD2] =	sst s25  }
0xa6: {  	s5 =	sshll.u32 s26, $0x1;
	_ =	strace $0x80000049;
	[dreg:$0x1] =	wrdreg $0xFFFFFFFF  }
0xa7: {  	s28 =	simm.s32 $_size_execute0_lowered;
	s3 =	sadd.s32 s3, s5;
	[dreg:$0x0] =	wrdreg $0x0  }
0xa8: {  	s5 =	sshll.u32 s28, $0x1;
	[dreg:$0x2] =	wrdreg s3  }
0xa9: {  	[dreg:$0x3] =	wrdreg s5  }
0xaa: {  	[dreg:$0x4] =	wrdreg $0xC0  }
0xab: {  	_ =	task [dreg:s7], $0x5FFFF  }
0xac: {  	[dreg:$0x1] =	wrdreg $0xFFFFFFFF  }
0xad: {  	[dreg:$0x0] =	wrdreg $0x60  }
0xae: {  	[dreg:$0x2] =	wrdreg s24  }
0xaf: {  	[dreg:$0x3] =	wrdreg s2  }
0xb0: {  	[dreg:$0x4] =	wrdreg $0x7E000  }
0xb1: {  	[dreg:$0x5] =	wrdreg $0x9  }
0xb2: {  	_ =	task.clear_ibuf [dreg:s7], $0x6FFFF;
	_ =	strace $0x90000049  }
0xb3: {  	s29 =	simm.s32 $0x9;
	_ =	strace $0x8000004B  }
0xb4: {  	_ =	swait.ge [sflag:s29], $0x1  }
0xb5: {  	[sflag:s29] =	ssyncadd.s32 $0xFFFFFFFF  }
0xb6: {  	_ =	strace $0x9000004B  }
0xb7: {  	_ =	sfence  }
0xb8: {  	s30 =	sld [smem:$0x0];
	_ =	sdelay $0x2  }
0xb9: {  	s31 =	sshll.u32 s1, $0xD;
	s1 =	sshrl.u32 s1, $0x2  }
0xba: {  	s3 =	sand.u32 $0x4000, s31;
	s1 =	sadd.s32 s1, s30  }
0xbb: {  	s0 =	sor.u32 s3, s0;
	s1 =	sshll.u32 s1, $0x11  }
0xbc: {  	s0 =	sor.u32 s1, s0  }
0xbd: {  	s0 =	sadd.s32 $0x8F2B, s0  }
0xbe: {  	[sflag:s0] =	ssyncadd.remote.s32 $0x1  }
0xbf: {  	_ =	sfence.sel $0xFFFF  }
0xc0: {  	[dreg:$0x0] =	wrdreg $0xFFFFFFFF;
	(pc) =	sbr.abs _section_cstart, $3  }
0xc1: {  	[dreg:$0x1] =	wrdreg $0xFFFFFFFF  }
0xc2: {  	_ =	task.clear_ibuf [dreg:s7], $0x2FFFF;
	_ =	strace $0x9FFFFFFF  }
0xc3: {  	(tm) =	ssettm $0x7FFFFFFF  }
tec
execute0_lowered:
.L_overlay_start_1:
0x0: {  	(tag) =	ssettag $0x1  }
0x1: {  	s0 =	rddreg [dreg:$0x0]  }
0x2: {  	s12 =	rddreg [dreg:$0x1]  }
0x3: {  	s2 =	rddreg [dreg:$0x2]  }
0x4: {  	s1 =	srdreg.scid;
	s4 =	simm.s32 $0x0;
	s13 =	stileid.u32  }
0x5: {  	s28 =	simm.s32 $0x1;
	s30 =	simm.s32 $0x5600;
	s7 =	smul.u32 $0x14000, s13  }
0x6: {  	s31 =	simm.s32 $0x2;
	s1 =	sand.u32 $0x1, s1;
	s9 =	smul.u32 $0x50000, s13  }
0x7: {  	[smem:$0x7FF] =	sst s4;
	s5 =	sadd.s32 $0xBA00, s0;
	s11 =	smul.u32 $0xA800, s13  }
0x8: {  	s6 =	sadd.s32 $0x1C00, s0;
	s14 =	sadd.s32 $0x33A00, s0;
	s20 =	smul.u32 $0x4EC0, s13  }
0x9: {  	s15 =	sshll.u32 s13, $0x1;
	s18 =	sshll.u32 s13, $0x6;
	s3 =	smul.u32 $0x140000, s1  }
0xa: {  	_ =	strace $0x8000004A;
	[dreg:$0x6] =	wrdreg s14;
	s8 =	ssub.s32 $0x2, s1  }
0xb: {  	s14 =	sor.u32 $0x1C09, s18;
	s22 =	smul.u32 $0x2760, s1;
	[dreg:$0x5] =	wrdreg s6  }
0xc: {  	s16 =	sshrl.u32 s8, $0x1;
	s17 =	sshrl.u32 s9, $0x2;
	s9 =	simm.s32 $0x6  }
0xd: {  	[dreg:$0x7] =	wrdreg s14;
	s3 =	sadd.s32 s7, s3;
	s7 =	sor.u32 s1, s15  }
0xe: {  	s1 =	smul.u32 $0x5400, s1;
	s23 =	sadd.s32 s22, s20;
	s20 =	simm.s32 $0x200  }
0xf: {  	s22 =	simm.s32 $0x50;
	s15 =	simm.s32 $0x480;
	s10 =	smul.u32 $0x2760, s7  }
0x10: {  	s3 =	sshrl.u32 s3, $0x3;
	s7 =	smul.u32 $0x5400, s7;
	s24 =	sadd.s32 $0x2D0, s23  }
0x11: {  	s0 =	sadd.s32 s3, s0;
	s3 =	ssub.s32 s8, s16;
	s8 =	sadd.s32 s17, s2  }
0x12: {  	s1 =	sadd.s32 s1, s11;
	s11 =	simm.s32 $0x3;
	s16 =	simm.s32 $0x0  }
0x13: {  	s19 =	sshrl.u32 s10, $0x3;
	s7 =	sshrl.u32 s7, $0x3;
	s0 =	sadd.s32 $0x36200, s0  }
0x14: {  	s3 =	smax.u32 s3, $0x1;
	s25 =	sadd.s32 $0x400, s1;
	[dreg:$0xc] =	wrdreg s0  }
0x15: {  	s1 =	sadd.s32 $0x600, s1;
	s10 =	simm.s32 $0x1A0;
	[dreg:$0xd] =	wrdreg s3  }
0x16: {  	s21 =	sadd.s32 s6, s19;
	s7 =	sadd.s32 s12, s7;
	[dreg:$0xe] =	wrdreg s25  }
0x17: {  	s3 =	sshrl.u32 s24, $0x3;
	s0 =	sadd.s32 $0x1E0, s23;
	s26 =	sshrl.u32 s1, $0x3  }
0x18: {  	s1 =	sshrl.u32 s8, $0x3;
	s23 =	simm.s32 $0x600;
	[dreg:$0x8] =	wrdreg s21  }
0x19: {  	s24 =	simm.s32 $0x2E00;
	s25 =	simm.s32 $0x100;
	[dreg:$0x9] =	wrdreg s7  }
0x1a: {  	s8 =	simm.s32 $0x150;
	s13 =	sadd.s32 $0x1E, s21;
	[dreg:$0xf] =	wrdreg s0  }
0x1b: {  	s7 =	sadd.s32 $0x40, s7;
	s29 =	sadd.s32 s3, s6;
	[dreg:$0x11] =	wrdreg s1  }
0x1c: {  	s0 =	sadd.s32 s26, s12;
	s12 =	simm.s32 $0x9;
	[dreg:$0xa] =	wrdreg s13  }
0x1d: {  	s21 =	simm.s32 $0x7;
	s26 =	simm.s32 $0x400;
	[dreg:$0xb] =	wrdreg s7  }
0x1e: {  	s3 =	simm.s32 $0x4;
	s6 =	simm.s32 $0x500;
	[dreg:$0x10] =	wrdreg s0  }
0x1f: {  	[dreg:$0x4] =	wrdreg s29;
	s7 =	simm.s32 $0x8;
	s13 =	simm.s32 $0x5  }
.LBB2_1:
0x20: {  	[dreg:$0x12] =	wrdreg s16  }
0x21: {  	s0 =	rddreg [dreg:$0x6]  }
0x22: {  	[spmem:s1], [sflag:s14] =	dma.local [hbm:s0], $0x2800  }
0x23: {  	_ =	swait.ge [sflag:s12], $0x2800  }
0x24: {  	[sflag:s12] =	ssyncset.done $0x0  }
0x25: {  	[sflag:s12] =	ssyncadd.s32 $0xFFFFD800  }
0x26: {  	[bflag:$0x0] =	sbarrier.arrive $0xFFFF  }
0x27: {  	s16 =	rddreg [dreg:$0x8]  }
0x28: {  	[tilespmem:s4], [sflag:$0x7] =	stream.linear.gather [hbm4b:s16+s4], $0xF0, $0x38;
	[tilespmem:$0x1BE00] =	vst v63  }
0x29: {  	s17 =	rddreg [dreg:$0x9]  }
0x2a: {  	[tilespmem:s20], [sflag:$0x7] =	stream.linear.gather [hbm4b:s17+s4], $0x180, $0x38;
	[tilespmem:$0x1BE00] =	vst v63  }
0x2b: {  	_ =	swait.ge [sflag:s21], $0xF0  }
0x2c: {  	[sflag:s21] =	ssyncset.done $0x0  }
0x2d: {  	[sflag:s21] =	ssyncadd.s32 $0xFFFFFF10  }
0x2e: {  	_ =	swait.ge [sflag:s21], $0x180  }
0x2f: {  	[sflag:s21] =	ssyncset.done $0x0  }
0x30: {  	[sflag:s21] =	ssyncadd.s32 $0xFFFFFE80  }
0x31: {  	[tilespmem:s23], [sflag:$0x1] =	stream.indirect.gather [hbm4b:s5+s22], $0x80, s4, s22, $0xb8;
	[tilespmem:$0x1BE00] =	vst v63  }
0x32: {  	_ = 	snop  }
0x33: {  	[tilespmem:s24], [sflag:$0x2] =	stream.indirect.gather [hbm4b:s5+s22], $0x80, s22, s22, $0xb8;
	[tilespmem:$0x1BE00] =	vst v63  }
0x34: {  	s18 =	rddreg [dreg:$0xa]  }
0x35: {  	[tilespmem:s25], [sflag:$0x8] =	stream.linear.gather [hbm4b:s18+s4], $0xF0, $0x38;
	[tilespmem:$0x1BE00] =	vst v63  }
0x36: {  	s19 =	rddreg [dreg:$0xb]  }
0x37: {  	[tilespmem:s26], [sflag:$0x8] =	stream.linear.gather [hbm4b:s19+s4], $0x180, $0x38;
	[tilespmem:$0x1BE00] =	vst v63  }
0x38: {  	_ =	swait.ge [sflag:s28], $0x2800  }
0x39: {  	[sflag:s28] =	ssyncset.done $0x0  }
0x3a: {  	[sflag:s28] =	ssyncadd.s32 $0xFFFFD800  }
0x3b: {  	[spmem:s2] =	stream.indirect.scatter.add.f32 [tilespmem:s23], [sflag:$0x4], $0x80, s20, s22, $0xb8;
	[tilespmem:$0x1BE00] =	vst v63  }
0x3c: {  	s16 =	simm.s32 $0xA0  }
0x3d: {  	[tilespmem:s30], [sflag:$0x3] =	stream.indirect.gather [hbm4b:s5+s22], $0x80, s16, s22, $0xb8;
	[tilespmem:$0x1BE00] =	vst v63  }
0x3e: {  	_ =	swait.ge [sflag:s31], $0x2800  }
0x3f: {  	[sflag:s31] =	ssyncset.done $0x0  }
0x40: {  	s17 =	simm.s32 $0x280;
	[sflag:s31] =	ssyncadd.s32 $0xFFFFD800  }
0x41: {  	[spmem:s2] =	stream.indirect.scatter.add.f32 [tilespmem:s24], [sflag:$0x5], $0x80, s17, s22, $0xb8;
	[tilespmem:$0x1BE00] =	vst v63  }
0x42: {  	_ =	swait.ge [sflag:s3], $0x2800  }
0x43: {  	[sflag:s3] =	ssyncset.done $0x0  }
0x44: {  	[sflag:s3] =	ssyncadd.s32 $0xFFFFD800  }
0x45: {  	_ =	swait.ge [sflag:s7], $0xF0  }
0x46: {  	[sflag:s7] =	ssyncset.done $0x0  }
0x47: {  	[sflag:s7] =	ssyncadd.s32 $0xFFFFFF10  }
0x48: {  	_ =	swait.ge [sflag:s7], $0x180  }
0x49: {  	[sflag:s7] =	ssyncset.done $0x0  }
0x4a: {  	[sflag:s7] =	ssyncadd.s32 $0xFFFFFE80  }
0x4b: {  	[tilespmem:s23], [sflag:$0x1] =	stream.indirect.gather [hbm4b:s5+s22], $0x80, s25, s22, $0xb8;
	[tilespmem:$0x1BE00] =	vst v63  }
0x4c: {  	_ =	swait.ge [sflag:s11], $0x2800  }
0x4d: {  	[sflag:s11] =	ssyncset.done $0x0  }
0x4e: {  	s18 =	simm.s32 $0x300;
	[sflag:s11] =	ssyncadd.s32 $0xFFFFD800  }
0x4f: {  	[spmem:s2] =	stream.indirect.scatter.add.f32 [tilespmem:s30], [sflag:$0x6], $0x80, s18, s22, $0xb8;
	[tilespmem:$0x1BE00] =	vst v63  }
0x50: {  	_ =	swait.ge [sflag:s13], $0x2800  }
0x51: {  	[sflag:s13] =	ssyncset.done $0x0;
	s14 =	rddreg [dreg:$0xf]  }
0x52: {  	s12 =	rddreg [dreg:$0x5];
	[sflag:s13] =	ssyncadd.s32 $0xFFFFD800;
	s1 =	sshrl.u32 s14, $0x3  }
0x53: {  	[tilespmem:s24], [sflag:$0x2] =	stream.indirect.gather [hbm4b:s5+s22], $0x80, s8, s22, $0xb8;
	[tilespmem:$0x1BE00] =	vst v63  }
0x54: {  	s0 =	sadd.s32 s12, s1;
	s12 =	rddreg [dreg:$0xe]  }
0x55: {  	s19 =	rddreg [dreg:$0x1];
	s1 =	sshrl.u32 s12, $0x3  }
0x56: {  	[tilespmem:s4], [sflag:$0x7] =	stream.linear.gather [hbm4b:s0+s4], $0xF0, $0x38;
	[tilespmem:$0x1BE00] =	vst v63  }
0x57: {  	s0 =	sadd.s32 s19, s1  }
0x58: {  	[tilespmem:s20], [sflag:$0x7] =	stream.linear.gather [hbm4b:s0+s4], $0x180, $0x38;
	[tilespmem:$0x1BE00] =	vst v63  }
0x59: {  	_ =	swait.ge [sflag:s28], $0x2800  }
0x5a: {  	[sflag:s28] =	ssyncset.done $0x0  }
0x5b: {  	[sflag:s28] =	ssyncadd.s32 $0xFFFFD800  }
0x5c: {  	[spmem:s2] =	stream.indirect.scatter.add.f32 [tilespmem:s23], [sflag:$0x4], $0x80, s26, s22, $0xb8;
	[tilespmem:$0x1BE00] =	vst v63  }
0x5d: {  	_ =	swait.ge [sflag:s9], $0x2800  }
0x5e: {  	[sflag:s9] =	ssyncset.done $0x0  }
0x5f: {  	[sflag:s9] =	ssyncadd.s32 $0xFFFFD800  }
0x60: {  	[tilespmem:s30], [sflag:$0x3] =	stream.indirect.gather [hbm4b:s5+s22], $0x80, s10, s22, $0xb8;
	[tilespmem:$0x1BE00] =	vst v63  }
0x61: {  	_ =	swait.ge [sflag:s31], $0x2800  }
0x62: {  	[sflag:s31] =	ssyncset.done $0x0  }
0x63: {  	[sflag:s31] =	ssyncadd.s32 $0xFFFFD800  }
0x64: {  	[spmem:s2] =	stream.indirect.scatter.add.f32 [tilespmem:s24], [sflag:$0x5], $0x80, s15, s22, $0xb8;
	[tilespmem:$0x1BE00] =	vst v63  }
0x65: {  	_ =	swait.ge [sflag:s3], $0x2800  }
0x66: {  	[sflag:s3] =	ssyncset.done $0x0  }
0x67: {  	[sflag:s3] =	ssyncadd.s32 $0xFFFFD800  }
0x68: {  	_ =	swait.ge [sflag:s21], $0xF0  }
0x69: {  	[sflag:s21] =	ssyncset.done $0x0  }
0x6a: {  	[sflag:s21] =	ssyncadd.s32 $0xFFFFFF10  }
0x6b: {  	_ =	swait.ge [sflag:s21], $0x180  }
0x6c: {  	[sflag:s21] =	ssyncset.done $0x0  }
0x6d: {  	[sflag:s21] =	ssyncadd.s32 $0xFFFFFE80  }
0x6e: {  	[tilespmem:s23], [sflag:$0x1] =	stream.indirect.gather [hbm4b:s5+s22], $0x80, s4, s22, $0xb8;
	[tilespmem:$0x1BE00] =	vst v63  }
0x6f: {  	_ =	swait.ge [sflag:s11], $0x2800  }
0x70: {  	[sflag:s11] =	ssyncset.done $0x0  }
0x71: {  	[sflag:s11] =	ssyncadd.s32 $0xFFFFD800  }
0x72: {  	[spmem:s2] =	stream.indirect.scatter.add.f32 [tilespmem:s30], [sflag:$0x6], $0x80, s6, s22, $0xb8;
	[tilespmem:$0x1BE00] =	vst v63  }
0x73: {  	_ =	swait.ge [sflag:s13], $0x2800  }
0x74: {  	[sflag:s13] =	ssyncset.done $0x0  }
0x75: {  	s19 =	rddreg [dreg:$0x4];
	[sflag:s13] =	ssyncadd.s32 $0xFFFFD800  }
0x76: {  	[tilespmem:s24], [sflag:$0x2] =	stream.indirect.gather [hbm4b:s5+s22], $0x80, s22, s22, $0xb8;
	[tilespmem:$0x1BE00] =	vst v63  }
0x77: {  	s0 =	sadd.s32 $0x0, s19  }
0x78: {  	[tilespmem:s25], [sflag:$0x8] =	stream.linear.gather [hbm4b:s0+s4], $0xF0, $0x38;
	[tilespmem:$0x1BE00] =	vst v63  }
0x79: {  	s0 =	rddreg [dreg:$0x10]  }
0x7a: {  	[tilespmem:s26], [sflag:$0x8] =	stream.linear.gather [hbm4b:s0+s4], $0x180, $0x38;
	[tilespmem:$0x1BE00] =	vst v63  }
0x7b: {  	_ =	swait.ge [sflag:s28], $0x2800  }
0x7c: {  	[sflag:s28] =	ssyncset.done $0x0  }
0x7d: {  	[sflag:s28] =	ssyncadd.s32 $0xFFFFD800  }
0x7e: {  	[spmem:s2] =	stream.indirect.scatter.add.f32 [tilespmem:s23], [sflag:$0x4], $0x80, s20, s22, $0xb8;
	[tilespmem:$0x1BE00] =	vst v63  }
0x7f: {  	_ =	swait.ge [sflag:s9], $0x2800  }
0x80: {  	[sflag:s9] =	ssyncset.done $0x0  }
0x81: {  	[sflag:s9] =	ssyncadd.s32 $0xFFFFD800  }
0x82: {  	[tilespmem:s30], [sflag:$0x3] =	stream.indirect.gather [hbm4b:s5+s22], $0x80, s16, s22, $0xb8;
	[tilespmem:$0x1BE00] =	vst v63  }
0x83: {  	_ =	swait.ge [sflag:s31], $0x2800  }
0x84: {  	[sflag:s31] =	ssyncset.done $0x0  }
0x85: {  	[sflag:s31] =	ssyncadd.s32 $0xFFFFD800  }
0x86: {  	[spmem:s2] =	stream.indirect.scatter.add.f32 [tilespmem:s24], [sflag:$0x5], $0x80, s17, s22, $0xb8;
	[tilespmem:$0x1BE00] =	vst v63  }
0x87: {  	_ =	swait.ge [sflag:s3], $0x2800  }
0x88: {  	[sflag:s3] =	ssyncset.done $0x0  }
0x89: {  	[sflag:s3] =	ssyncadd.s32 $0xFFFFD800  }
0x8a: {  	_ =	swait.ge [sflag:s7], $0xF0  }
0x8b: {  	[sflag:s7] =	ssyncset.done $0x0  }
0x8c: {  	[sflag:s7] =	ssyncadd.s32 $0xFFFFFF10  }
0x8d: {  	_ =	swait.ge [sflag:s7], $0x180  }
0x8e: {  	[sflag:s7] =	ssyncset.done $0x0  }
0x8f: {  	[sflag:s7] =	ssyncadd.s32 $0xFFFFFE80  }
0x90: {  	[tilespmem:s23], [sflag:$0x1] =	stream.indirect.gather [hbm4b:s5+s22], $0x80, s25, s22, $0xb8;
	[tilespmem:$0x1BE00] =	vst v63  }
0x91: {  	_ =	swait.ge [sflag:s11], $0x2800  }
0x92: {  	[sflag:s11] =	ssyncset.done $0x0  }
0x93: {  	s14 =	sadd.s32 $0x1E0, s14;
	[sflag:s11] =	ssyncadd.s32 $0xFFFFD800  }
0x94: {  	[spmem:s2] =	stream.indirect.scatter.add.f32 [tilespmem:s30], [sflag:$0x6], $0x80, s18, s22, $0xb8;
	[tilespmem:$0x1BE00] =	vst v63  }
0x95: {  	s29 =	sadd.s32 $0x1E0, s14;
	s1 =	sadd.s32 $0x400, s12;
	_ =	swait.ge [sflag:s13], $0x2800  }
0x96: {  	s19 =	sshrl.u32 s14, $0x3;
	s16 =	simm.s32 $0x78;
	[sflag:s13] =	ssyncset.done $0x0  }
0x97: {  	s17 =	simm.s32 $0x3C;
	s18 =	sadd.s32 $0x80, s0;
	[sflag:s13] =	ssyncadd.s32 $0xFFFFD800  }
.LBB2_2:
0x98: {  	[tilespmem:s24], [sflag:$0x2] =	stream.indirect.gather [hbm4b:s5+s22], $0x80, s8, s22, $0xb8;
	[tilespmem:$0x1BE00] =	vst v63  }
0x99: {  	s12 =	rddreg [dreg:$0x5]  }
0x9a: {  	s12 =	sadd.s32 s12, s19  }
0x9b: {  	[tilespmem:s4], [sflag:$0x7] =	stream.linear.gather [hbm4b:s12+s4], $0xF0, $0x38;
	[tilespmem:$0x1BE00] =	vst v63  }
0x9c: {  	s14 =	sshrl.u32 s1, $0x3;
	s12 =	rddreg [dreg:$0x1]  }
0x9d: {  	s12 =	sadd.s32 s12, s14  }
0x9e: {  	[tilespmem:s20], [sflag:$0x7] =	stream.linear.gather [hbm4b:s12+s4], $0x180, $0x38;
	[tilespmem:$0x1BE00] =	vst v63  }
0x9f: {  	_ =	swait.ge [sflag:s28], $0x2800  }
0xa0: {  	[sflag:s28] =	ssyncset.done $0x0  }
0xa1: {  	[sflag:s28] =	ssyncadd.s32 $0xFFFFD800  }
0xa2: {  	[spmem:s2] =	stream.indirect.scatter.add.f32 [tilespmem:s23], [sflag:$0x4], $0x80, s26, s22, $0xb8;
	[tilespmem:$0x1BE00] =	vst v63  }
0xa3: {  	_ =	swait.ge [sflag:s9], $0x2800  }
0xa4: {  	[sflag:s9] =	ssyncset.done $0x0  }
0xa5: {  	[sflag:s9] =	ssyncadd.s32 $0xFFFFD800  }
0xa6: {  	[tilespmem:s30], [sflag:$0x3] =	stream.indirect.gather [hbm4b:s5+s22], $0x80, s10, s22, $0xb8;
	[tilespmem:$0x1BE00] =	vst v63  }
0xa7: {  	_ =	swait.ge [sflag:s31], $0x2800  }
0xa8: {  	[sflag:s31] =	ssyncset.done $0x0  }
0xa9: {  	[sflag:s31] =	ssyncadd.s32 $0xFFFFD800  }
0xaa: {  	[spmem:s2] =	stream.indirect.scatter.add.f32 [tilespmem:s24], [sflag:$0x5], $0x80, s15, s22, $0xb8;
	[tilespmem:$0x1BE00] =	vst v63  }
0xab: {  	_ =	swait.ge [sflag:s3], $0x2800  }
0xac: {  	[sflag:s3] =	ssyncset.done $0x0  }
0xad: {  	[sflag:s3] =	ssyncadd.s32 $0xFFFFD800  }
0xae: {  	_ =	swait.ge [sflag:s21], $0xF0  }
0xaf: {  	[sflag:s21] =	ssyncset.done $0x0  }
0xb0: {  	[sflag:s21] =	ssyncadd.s32 $0xFFFFFF10  }
0xb1: {  	_ =	swait.ge [sflag:s21], $0x180  }
0xb2: {  	[sflag:s21] =	ssyncset.done $0x0  }
0xb3: {  	[sflag:s21] =	ssyncadd.s32 $0xFFFFFE80  }
0xb4: {  	[tilespmem:s23], [sflag:$0x1] =	stream.indirect.gather [hbm4b:s5+s22], $0x80, s4, s22, $0xb8;
	[tilespmem:$0x1BE00] =	vst v63  }
0xb5: {  	_ =	swait.ge [sflag:s11], $0x2800  }
0xb6: {  	[sflag:s11] =	ssyncset.done $0x0  }
0xb7: {  	[sflag:s11] =	ssyncadd.s32 $0xFFFFD800  }
0xb8: {  	[spmem:s2] =	stream.indirect.scatter.add.f32 [tilespmem:s30], [sflag:$0x6], $0x80, s6, s22, $0xb8;
	[tilespmem:$0x1BE00] =	vst v63  }
0xb9: {  	_ =	swait.ge [sflag:s13], $0x2800  }
0xba: {  	[sflag:s13] =	ssyncset.done $0x0  }
0xbb: {  	s14 =	rddreg [dreg:$0x4];
	[sflag:s13] =	ssyncadd.s32 $0xFFFFD800  }
0xbc: {  	[tilespmem:s24], [sflag:$0x2] =	stream.indirect.gather [hbm4b:s5+s22], $0x80, s22, s22, $0xb8;
	[tilespmem:$0x1BE00] =	vst v63  }
0xbd: {  	s12 =	sadd.s32 s17, s14  }
0xbe: {  	[tilespmem:s25], [sflag:$0x8] =	stream.linear.gather [hbm4b:s12+s4], $0xF0, $0x38;
	[tilespmem:$0x1BE00] =	vst v63  }
0xbf: {  	_ = 	snop  }
0xc0: {  	[tilespmem:s26], [sflag:$0x8] =	stream.linear.gather [hbm4b:s18+s4], $0x180, $0x38;
	[tilespmem:$0x1BE00] =	vst v63  }
0xc1: {  	_ =	swait.ge [sflag:s28], $0x2800  }
0xc2: {  	[sflag:s28] =	ssyncset.done $0x0  }
0xc3: {  	[sflag:s28] =	ssyncadd.s32 $0xFFFFD800  }
0xc4: {  	[spmem:s2] =	stream.indirect.scatter.add.f32 [tilespmem:s23], [sflag:$0x4], $0x80, s20, s22, $0xb8;
	[tilespmem:$0x1BE00] =	vst v63  }
0xc5: {  	_ =	swait.ge [sflag:s9], $0x2800  }
0xc6: {  	[sflag:s9] =	ssyncset.done $0x0  }
0xc7: {  	s14 =	simm.s32 $0xA0;
	[sflag:s9] =	ssyncadd.s32 $0xFFFFD800  }
0xc8: {  	[tilespmem:s30], [sflag:$0x3] =	stream.indirect.gather [hbm4b:s5+s22], $0x80, s14, s22, $0xb8;
	[tilespmem:$0x1BE00] =	vst v63  }
0xc9: {  	_ =	swait.ge [sflag:s31], $0x2800  }
0xca: {  	[sflag:s31] =	ssyncset.done $0x0  }
0xcb: {  	s12 =	simm.s32 $0x280;
	[sflag:s31] =	ssyncadd.s32 $0xFFFFD800  }
0xcc: {  	[spmem:s2] =	stream.indirect.scatter.add.f32 [tilespmem:s24], [sflag:$0x5], $0x80, s12, s22, $0xb8;
	[tilespmem:$0x1BE00] =	vst v63  }
0xcd: {  	_ =	swait.ge [sflag:s3], $0x2800  }
0xce: {  	[sflag:s3] =	ssyncset.done $0x0  }
0xcf: {  	[sflag:s3] =	ssyncadd.s32 $0xFFFFD800  }
0xd0: {  	_ =	swait.ge [sflag:s7], $0xF0  }
0xd1: {  	[sflag:s7] =	ssyncset.done $0x0  }
0xd2: {  	[sflag:s7] =	ssyncadd.s32 $0xFFFFFF10  }
0xd3: {  	_ =	swait.ge [sflag:s7], $0x180  }
0xd4: {  	[sflag:s7] =	ssyncset.done $0x0  }
0xd5: {  	[sflag:s7] =	ssyncadd.s32 $0xFFFFFE80  }
0xd6: {  	[tilespmem:s23], [sflag:$0x1] =	stream.indirect.gather [hbm4b:s5+s22], $0x80, s25, s22, $0xb8;
	[tilespmem:$0x1BE00] =	vst v63  }
0xd7: {  	_ =	swait.ge [sflag:s11], $0x2800  }
0xd8: {  	s0 =	smov.u32 s16;
	p0 =	sne.s32 s16, $0x474;
	[sflag:s11] =	ssyncset.done $0x0  }
.Ltmp0:
0xd9: {  	s14 =	simm.s32 $0x300;
	[sflag:s11] =	ssyncadd.s32 $0xFFFFD800;
	(pc) =	sbr.rel @p0 .LBB2_2-.Ltmp0, $4  }
0xda: {  	[spmem:s2] =	stream.indirect.scatter.add.f32 [tilespmem:s30], [sflag:$0x6], $0x80, s14, s22, $0xb8;
	[tilespmem:$0x1BE00] =	vst v63  }
0xdb: {  	s16 =	sadd.s32 $0x3C, s16;
	s1 =	sadd.s32 $0x400, s1;
	_ =	swait.ge [sflag:s13], $0x2800  }
0xdc: {  	s19 =	sshrl.u32 s29, $0x3;
	s29 =	sadd.s32 $0x1E0, s29;
	[sflag:s13] =	ssyncset.done $0x0  }
0xdd: {  	s17 =	smov.u32 s0;
	s18 =	sadd.s32 $0x80, s18;
	[sflag:s13] =	ssyncadd.s32 $0xFFFFD800  }
0xde: {  	s12 =	simm.s32 $0x150;
	s0 =	rddreg [dreg:$0x5]  }
0xdf: {  	[tilespmem:s24], [sflag:$0x2] =	stream.indirect.gather [hbm4b:s5+s22], $0x80, s12, s22, $0xb8;
	[tilespmem:$0x1BE00] =	vst v63  }
0xe0: {  	s29 =	rddreg [dreg:$0x1];
	s0 =	sadd.s32 s0, s19;
	s19 =	sshrl.u32 s1, $0x3  }
0xe1: {  	[tilespmem:s4], [sflag:$0x7] =	stream.linear.gather [hbm4b:s0+s4], $0xF0, $0x38;
	[tilespmem:$0x1BE00] =	vst v63  }
0xe2: {  	s0 =	sadd.s32 s29, s19  }
0xe3: {  	[tilespmem:s20], [sflag:$0x7] =	stream.linear.gather [hbm4b:s0+s4], $0x180, $0x38;
	[tilespmem:$0x1BE00] =	vst v63  }
0xe4: {  	_ =	swait.ge [sflag:s28], $0x2800  }
0xe5: {  	[sflag:s28] =	ssyncset.done $0x0  }
0xe6: {  	[sflag:s28] =	ssyncadd.s32 $0xFFFFD800  }
0xe7: {  	[spmem:s2] =	stream.indirect.scatter.add.f32 [tilespmem:s23], [sflag:$0x4], $0x80, s26, s22, $0xb8;
	[tilespmem:$0x1BE00] =	vst v63  }
0xe8: {  	_ =	swait.ge [sflag:s9], $0x2800  }
0xe9: {  	[sflag:s9] =	ssyncset.done $0x0  }
0xea: {  	s6 =	simm.s32 $0x1A0;
	[sflag:s9] =	ssyncadd.s32 $0xFFFFD800  }
0xeb: {  	[tilespmem:s30], [sflag:$0x3] =	stream.indirect.gather [hbm4b:s5+s22], $0x80, s6, s22, $0xb8;
	[tilespmem:$0x1BE00] =	vst v63  }
0xec: {  	_ =	swait.ge [sflag:s31], $0x2800  }
0xed: {  	[sflag:s31] =	ssyncset.done $0x0  }
0xee: {  	s14 =	simm.s32 $0x480;
	[sflag:s31] =	ssyncadd.s32 $0xFFFFD800  }
0xef: {  	[spmem:s2] =	stream.indirect.scatter.add.f32 [tilespmem:s24], [sflag:$0x5], $0x80, s14, s22, $0xb8;
	[tilespmem:$0x1BE00] =	vst v63  }
0xf0: {  	_ =	swait.ge [sflag:s3], $0x2800  }
0xf1: {  	[sflag:s3] =	ssyncset.done $0x0  }
0xf2: {  	[sflag:s3] =	ssyncadd.s32 $0xFFFFD800  }
0xf3: {  	_ =	swait.ge [sflag:s21], $0xF0  }
0xf4: {  	[sflag:s21] =	ssyncset.done $0x0  }
0xf5: {  	[sflag:s21] =	ssyncadd.s32 $0xFFFFFF10  }
0xf6: {  	_ =	swait.ge [sflag:s21], $0x180  }
0xf7: {  	[sflag:s21] =	ssyncset.done $0x0  }
0xf8: {  	[sflag:s21] =	ssyncadd.s32 $0xFFFFFE80  }
0xf9: {  	[tilespmem:s23], [sflag:$0x1] =	stream.indirect.gather [hbm4b:s5+s22], $0x80, s4, s22, $0xb8;
	[tilespmem:$0x1BE00] =	vst v63  }
0xfa: {  	_ =	swait.ge [sflag:s11], $0x2800  }
0xfb: {  	[sflag:s11] =	ssyncset.done $0x0  }
0xfc: {  	s16 =	simm.s32 $0x500;
	[sflag:s11] =	ssyncadd.s32 $0xFFFFD800  }
0xfd: {  	[spmem:s2] =	stream.indirect.scatter.add.f32 [tilespmem:s30], [sflag:$0x6], $0x80, s16, s22, $0xb8;
	[tilespmem:$0x1BE00] =	vst v63  }
0xfe: {  	_ =	swait.ge [sflag:s13], $0x2800  }
0xff: {  	[sflag:s13] =	ssyncset.done $0x0  }
0x100: {  	s8 =	rddreg [dreg:$0x4];
	[sflag:s13] =	ssyncadd.s32 $0xFFFFD800  }
0x101: {  	[tilespmem:s24], [sflag:$0x2] =	stream.indirect.gather [hbm4b:s5+s22], $0x80, s22, s22, $0xb8;
	[tilespmem:$0x1BE00] =	vst v63  }
0x102: {  	s0 =	sadd.s32 s17, s8  }
0x103: {  	[tilespmem:s25], [sflag:$0x8] =	stream.linear.gather [hbm4b:s0+s4], $0xF0, $0x38;
	[tilespmem:$0x1BE00] =	vst v63  }
0x104: {  	_ = 	snop  }
0x105: {  	[tilespmem:s26], [sflag:$0x8] =	stream.linear.gather [hbm4b:s18+s4], $0x180, $0x38;
	[tilespmem:$0x1BE00] =	vst v63  }
0x106: {  	_ =	swait.ge [sflag:s28], $0x2800  }
0x107: {  	[sflag:s28] =	ssyncset.done $0x0  }
0x108: {  	[sflag:s28] =	ssyncadd.s32 $0xFFFFD800  }
0x109: {  	[spmem:s2] =	stream.indirect.scatter.add.f32 [tilespmem:s23], [sflag:$0x4], $0x80, s20, s22, $0xb8;
	[tilespmem:$0x1BE00] =	vst v63  }
0x10a: {  	_ =	swait.ge [sflag:s9], $0x2800  }
0x10b: {  	[sflag:s9] =	ssyncset.done $0x0  }
0x10c: {  	s10 =	simm.s32 $0xA0;
	[sflag:s9] =	ssyncadd.s32 $0xFFFFD800  }
0x10d: {  	[tilespmem:s30], [sflag:$0x3] =	stream.indirect.gather [hbm4b:s5+s22], $0x80, s10, s22, $0xb8;
	[tilespmem:$0x1BE00] =	vst v63  }
0x10e: {  	_ =	swait.ge [sflag:s31], $0x2800  }
0x10f: {  	[sflag:s31] =	ssyncset.done $0x0  }
0x110: {  	s15 =	simm.s32 $0x280;
	[sflag:s31] =	ssyncadd.s32 $0xFFFFD800  }
0x111: {  	[spmem:s2] =	stream.indirect.scatter.add.f32 [tilespmem:s24], [sflag:$0x5], $0x80, s15, s22, $0xb8;
	[tilespmem:$0x1BE00] =	vst v63  }
0x112: {  	_ =	swait.ge [sflag:s3], $0x2800  }
0x113: {  	[sflag:s3] =	ssyncset.done $0x0  }
0x114: {  	[sflag:s3] =	ssyncadd.s32 $0xFFFFD800  }
0x115: {  	_ =	swait.ge [sflag:s7], $0xF0  }
0x116: {  	[sflag:s7] =	ssyncset.done $0x0  }
0x117: {  	[sflag:s7] =	ssyncadd.s32 $0xFFFFFF10  }
0x118: {  	_ =	swait.ge [sflag:s7], $0x180  }
0x119: {  	[sflag:s7] =	ssyncset.done $0x0  }
0x11a: {  	[sflag:s7] =	ssyncadd.s32 $0xFFFFFE80  }
0x11b: {  	[tilespmem:s23], [sflag:$0x1] =	stream.indirect.gather [hbm4b:s5+s22], $0x80, s25, s22, $0xb8;
	[tilespmem:$0x1BE00] =	vst v63  }
0x11c: {  	_ =	swait.ge [sflag:s11], $0x2800  }
0x11d: {  	[sflag:s11] =	ssyncset.done $0x0  }
0x11e: {  	s17 =	simm.s32 $0x300;
	[sflag:s11] =	ssyncadd.s32 $0xFFFFD800  }
0x11f: {  	[spmem:s2] =	stream.indirect.scatter.add.f32 [tilespmem:s30], [sflag:$0x6], $0x80, s17, s22, $0xb8;
	[tilespmem:$0x1BE00] =	vst v63  }
0x120: {  	_ =	swait.ge [sflag:s13], $0x2800  }
0x121: {  	[sflag:s13] =	ssyncset.done $0x0  }
0x122: {  	[sflag:s13] =	ssyncadd.s32 $0xFFFFD800  }
0x123: {  	[tilespmem:s24], [sflag:$0x2] =	stream.indirect.gather [hbm4b:s5+s22], $0x80, s12, s22, $0xb8;
	[tilespmem:$0x1BE00] =	vst v63  }
0x124: {  	_ =	swait.ge [sflag:s28], $0x2800  }
0x125: {  	[sflag:s28] =	ssyncset.done $0x0  }
0x126: {  	[sflag:s28] =	ssyncadd.s32 $0xFFFFD800  }
0x127: {  	[spmem:s2] =	stream.indirect.scatter.add.f32 [tilespmem:s23], [sflag:$0x4], $0x80, s26, s22, $0xb8;
	[tilespmem:$0x1BE00] =	vst v63  }
0x128: {  	_ =	swait.ge [sflag:s9], $0x2800  }
0x129: {  	[sflag:s9] =	ssyncset.done $0x0  }
0x12a: {  	[sflag:s9] =	ssyncadd.s32 $0xFFFFD800  }
0x12b: {  	[tilespmem:s30], [sflag:$0x3] =	stream.indirect.gather [hbm4b:s5+s22], $0x80, s6, s22, $0xb8;
	[tilespmem:$0x1BE00] =	vst v63  }
0x12c: {  	_ =	swait.ge [sflag:s31], $0x2800  }
0x12d: {  	[sflag:s31] =	ssyncset.done $0x0  }
0x12e: {  	[sflag:s31] =	ssyncadd.s32 $0xFFFFD800  }
0x12f: {  	[spmem:s2] =	stream.indirect.scatter.add.f32 [tilespmem:s24], [sflag:$0x5], $0x80, s14, s22, $0xb8;
	[tilespmem:$0x1BE00] =	vst v63  }
0x130: {  	_ =	swait.ge [sflag:s3], $0x2800  }
0x131: {  	[sflag:s3] =	ssyncset.done $0x0  }
0x132: {  	[sflag:s3] =	ssyncadd.s32 $0xFFFFD800  }
0x133: {  	_ =	swait.ge [sflag:s11], $0x2800  }
0x134: {  	[sflag:s11] =	ssyncset.done $0x0  }
0x135: {  	[sflag:s11] =	ssyncadd.s32 $0xFFFFD800  }
0x136: {  	[spmem:s2] =	stream.indirect.scatter.add.f32 [tilespmem:s30], [sflag:$0x6], $0x80, s16, s22, $0xb8;
	[tilespmem:$0x1BE00] =	vst v63  }
0x137: {  	_ =	swait.ge [sflag:s13], $0x2800  }
0x138: {  	[sflag:s13] =	ssyncset.done $0x0  }
0x139: {  	[sflag:s13] =	ssyncadd.s32 $0xFFFFD800  }
0x13a: {  	_ =	swait.ge [sflag:s9], $0x2800  }
0x13b: {  	[sflag:s9] =	ssyncset.done $0x0  }
0x13c: {  	[sflag:s9] =	ssyncadd.s32 $0xFFFFD800  }
0x13d: {  	[bflag:$0x0] =	sbarrier.arrive $0xFFFF  }
0x13e: {  	s14 =	rddreg [dreg:$0x7]  }
0x13f: {  	s18 =	rddreg [dreg:$0xc]  }
0x140: {  	s12 =	simm.s32 $0x9;
	s1 =	rddreg [dreg:$0x11]  }
0x141: {  	[hbm:s18], [sflag:s14] =	dma.local [spmem:s1], $0x2800  }
0x142: {  	_ =	swait.ge [sflag:s12], $0x2800  }
0x143: {  	s19 =	rddreg [dreg:$0x12]  }
0x144: {  	s29 =	rddreg [dreg:$0xd];
	s16 =	sadd.s32 $0x1, s19  }
0x145: {  	p0 =	sne.s32 s16, s29  }
.Ltmp1:
0x146: {  	_ = 	snop;
	(pc) =	sbr.rel @p0 .LBB2_1-.Ltmp1, $3  }
0x147: {  	_ =	sdelay $0x1  }
0x148: {  	s8 =	simm.s32 $0x150;
	s10 =	simm.s32 $0x1A0;
	[sflag:s12] =	ssyncset.done $0x0  }
0x149: {  	s15 =	simm.s32 $0x480;
	s6 =	simm.s32 $0x500;
	[sflag:s12] =	ssyncadd.s32 $0xFFFFD800  }
0x14a: {  	_ =	sfence.sel $0x180000  }
0x14b: {  	[bflag:$0x0] =	sbarrier.arrive $0xFFFF  }
0x14c: {  	_ =	strace $0x9000004A  }
0x14d: {  	s0 =	stileid.u32;
	[bflag:$0x2] =	sbarrier.arrive $0xFFFF  }
0x14e: {  	p0 =	sne.s32 s0, $0x0;
	s0 =	rddreg [dreg:$0x3]  }
0x14f: {  	s0 =	sadd.s32 @!p0 $0x100000, s0  }
0x150: {  	[sflag:s0] =	ssyncadd.tile.s32 @!p0 $0x1;
	_ =	shalt  }
.Lfunc_end2:
_tile_overlayer_lowered:
.L_overlay_start_2:
0x151: {  	(tag) =	ssettag $0x2  }
0x152: {  	s0 =	rddreg [dreg:$0x0];
	s2 =	stileid.u32  }
0x153: {  	s1 =	rddreg [dreg:$0x1];
	p0 =	sne.s32 s2, $0x0  }
0x154: {  	s3 =	rddreg [dreg:$0x2];
	[bflag:$0x3] =	sbarrier.arrive $0xFFFF;
	s2 =	simm.s32 @!p0 $0x1C09  }
0x155: {  	[timem:s3], [sflag:s2] =	dma.local @!p0 [hbm:s0], s1  }
0x156: {  	s0 =	simm.s32 @!p0 $0x9  }
0x157: {  	_ =	swait.ge @!p0 [sflag:s0], s1  }
0x158: {  	s1 =	ssub.s32 @!p0 $0x0, s1;
	[sflag:s0] =	ssyncset.done @!p0 $0x0  }
0x159: {  	[sflag:s0] =	ssyncadd.s32 @!p0 s1  }
0x15a: {  	[bflag:$0x3] =	sbarrier.arrive $0xFFFF  }
0x15b: {  	_ =	shalt  }

</sc_bundles>
